<compile_context>
chip_gen: v7x
topology: tpu7x:2x2x1
jax: 0.10.2.dev20260603
libtpu: 0.0.44.dev20260713+nightly
codegen_flags: <defaults>
</compile_context>

<pallas_src>
import functools

import jax
import jax.numpy as jnp
from jax import lax
from jax.experimental import pallas as pl
from jax.experimental.pallas import tpu as pltpu
from jax.experimental.pallas import tpu_sc as plsc

NC = 2
NS = 16
LANES = 16


def _emb_kernel(N, T, D, n_per, CH, idx_hbm, tok_hbm, pos_hbm, out_hbm,
                idx_v, tokbuf, outbuf, sem):
    wid = lax.axis_index("s") * NC + lax.axis_index("c")
    base = wid * n_per
    t_base = lax.rem(base, T)
    pltpu.sync_copy(idx_hbm.at[pl.ds(base, n_per)], idx_v)
    n_ch = n_per // CH
    vregs_per_row = D // LANES

    def chunk_body(c, _):
        cp = pltpu.async_copy(tok_hbm.at[idx_v.at[pl.ds(c * CH, CH)]],
                              tokbuf, sem)
        pltpu.sync_copy(pos_hbm.at[pl.ds(t_base + c * CH, CH)], outbuf)
        cp.wait()

        def add_row(r, _):
            for j in range(vregs_per_row):
                sl = pl.ds(j * LANES, LANES)
                plsc.addupdate(outbuf.at[r, sl], tokbuf[r, sl])
            return 0

        lax.fori_loop(0, CH, add_row, 0)
        pltpu.sync_copy(outbuf, out_hbm.at[pl.ds(base + c * CH, CH)])
        return 0

    lax.fori_loop(0, n_ch, chunk_body, 0)


def kernel(idx, token_table, pos_table):
    B, T = idx.shape
    V, D = token_table.shape
    N = B * T
    NW = NC * NS
    n_per = N // NW
    CH = 32

    idx_flat = idx.reshape(N).astype(jnp.int32)

    body = functools.partial(_emb_kernel, N, T, D, n_per, CH)
    f = pl.kernel(
        body,
        out_type=jax.ShapeDtypeStruct((N, D), jnp.float32),
        mesh=plsc.VectorSubcoreMesh(core_axis_name="c", subcore_axis_name="s"),
        scratch_types=[
            pltpu.VMEM((n_per,), jnp.int32),
            pltpu.VMEM((CH, D), jnp.float32),
            pltpu.VMEM((CH, D), jnp.float32),
            pltpu.SemaphoreType.DMA,
        ],
    )
    out = f(idx_flat, token_table, pos_table)
    return out.reshape(B, T, D)

# --- scband reference (transcript-rebuilt; emitter-appended) ---
"""Pipeline reference for scband-gptembedding-1279900254319 (READ-ONLY COPY).

The authoritative reference and input builder live on the scoring server;
editing this copy changes nothing except your own understanding.
"""

import jax, jax.numpy as jnp
import numpy as np

VOCAB = 100000
D_MODEL = 768
BLOCK = 2048
B, T = 4, 2048


def setup_inputs(seed: int = 0) -> dict:
    key = jax.random.key(seed)
    k1, k2, k3 = jax.random.split(key, 3)
    idx = jax.random.randint(k1, (B, T), 0, VOCAB, dtype=jnp.int64 if jax.config.jax_enable_x64 else jnp.int32)
    token_table = jax.random.normal(k2, (VOCAB, D_MODEL), dtype=jnp.float32) * 0.02
    pos_table = jax.random.normal(k3, (BLOCK, D_MODEL), dtype=jnp.float32) * 0.02
    return {"idx": idx, "token_table": token_table, "pos_table": pos_table}


def reference(idx, token_table, pos_table):
    # Token embedding lookup: gather rows of token_table by idx
    tok_vectors = jnp.take(token_table, idx, axis=0)            # [B, T, d_model]
    # Positional embedding lookup for positions 0..T-1
    Tcur = idx.shape[1]
    pos = jnp.arange(Tcur)
    pos_vectors = jnp.take(pos_table, pos, axis=0)[None, :, :]  # [1, T, d_model]
    x = tok_vectors + pos_vectors                               # [B, T, d_model]
    return x

if __name__ == "__main__":
    import jax
    _d = setup_inputs()
    print(jax.jit(kernel)(*tuple(_d.values())))

</pallas_src>

<mosaic_0001>
#map = affine_map<(d0, d1) -> (0)>
#map1 = affine_map<(d0, d1) -> (0, 0)>
module attributes {stable_mosaic.version = 14 : i64} {
  func.func @_emb_kernel(%arg0: i32, %arg1: i32, %arg2: memref<8192xi32, #tpu.memory_space<hbm>>, %arg3: memref<100000x768xf32, #tpu.memory_space<hbm>>, %arg4: memref<2048x768xf32, #tpu.memory_space<hbm>>, %arg5: memref<8192x768xf32, #tpu.memory_space<hbm>>, %arg6: memref<256xi32, #tpu.memory_space<vmem>>, %arg7: memref<32x768xf32, #tpu.memory_space<vmem>>, %arg8: memref<32x768xf32, #tpu.memory_space<vmem>>, %arg9: memref<!tpu.dma_semaphore, #tpu.memory_space<semaphore_mem>>) attributes {dimension_semantics = [#tpu.dimension_semantics<core_parallel>, #tpu.dimension_semantics<subcore_parallel>], iteration_bounds = array<i64: 2, 16>, scalar_prefetch = 0 : i64, scratch_operands = 4 : i64, tpu.core_type = #tpu.core_type<sc_vector_subcore>, window_params = [{transform_indices = #map}, {transform_indices = #map1}, {transform_indices = #map1}, {transform_indices = #map1}]} {
    %mul3A = arith.constant 2 : i32
    %mul3A_0 = arith.muli %arg1, %mul3A : i32
    %add3A = arith.addi %mul3A_0, %arg0 : i32
    %mul3A_1 = arith.constant 256 : i32
    %mul3A_2 = arith.muli %add3A, %mul3A_1 : i32
    %rem3A = arith.constant 2048 : i32
    %rem3A_3 = arith.remsi %mul3A_2, %rem3A : i32
    "tpu.region"() ({
      %run_scoped3A = tpu.sem_alloc : memref<!tpu.dma_semaphore, #tpu.memory_space<semaphore_mem>>
      %dma_start3A = tpu.memref_slice %arg2[%mul3A_2] : memref<8192xi32, #tpu.memory_space<hbm>> -> memref<256xi32, #tpu.memory_space<hbm>>
      %dma_start3A_10 = tpu.memref_slice %arg2[%mul3A_2] : memref<8192xi32, #tpu.memory_space<hbm>> -> memref<256xi32, #tpu.memory_space<hbm>>
      tpu.enqueue_dma source(%dma_start3A_10 : memref<256xi32, #tpu.memory_space<hbm>>) target(%arg6 : memref<256xi32, #tpu.memory_space<vmem>>) target_semaphore(%run_scoped3A : memref<!tpu.dma_semaphore, #tpu.memory_space<semaphore_mem>>)
      %dma_wait3A = tpu.memref_slice %arg2[%mul3A_2] : memref<8192xi32, #tpu.memory_space<hbm>> -> memref<256xi32, #tpu.memory_space<hbm>>
      %dma_wait3A_11 = tpu.memref_slice %arg2[%mul3A_2] : memref<8192xi32, #tpu.memory_space<hbm>> -> memref<256xi32, #tpu.memory_space<hbm>>
      tpu.wait_dma2 semaphore(%run_scoped3A : memref<!tpu.dma_semaphore, #tpu.memory_space<semaphore_mem>>) src(%dma_wait3A_11 : memref<256xi32, #tpu.memory_space<hbm>>) dst(%arg6 : memref<256xi32, #tpu.memory_space<vmem>>)
      tpu.yield
    }) : () -> ()
    %scan3A = arith.constant 0 : i32
    %scan3A_4 = arith.constant 0 : i32
    %scan3A_5 = arith.constant 8 : i32
    %scan3A_6 = arith.addi %scan3A_4, %scan3A_5 : i32
    %scan3A_7 = arith.constant 1 : i32
    %scan3A_8 = scf.for %scan3A_10 = %scan3A_4 to %scan3A_6 step %scan3A_7 iter_args(%scan3A_11 = %scan3A) -> (i32)  : i32 {
      %mul3A_12 = arith.constant 32 : i32
      %mul3A_13 = arith.muli %scan3A_10, %mul3A_12 : i32
      %dma_start3A = tpu.memref_slice %arg6[%mul3A_13] : memref<256xi32, #tpu.memory_space<vmem>> -> memref<32xi32, #tpu.memory_space<vmem>>
      %dma_start3A_14 = arith.constant 0 : i32
      %dma_start3A_15 = arith.constant 0 : i32
      %dma_start3A_16 = tpu.memref_slice %arg3[%dma_start3A_14, %dma_start3A_15] : memref<100000x768xf32, #tpu.memory_space<hbm>> -> memref<100000x768xf32, #tpu.memory_space<hbm>>
      tpu.enqueue_indirect_dma source(%dma_start3A_16 : memref<100000x768xf32, #tpu.memory_space<hbm>>) target(%arg7 : memref<32x768xf32, #tpu.memory_space<vmem>>) offsets(%dma_start3A : memref<32xi32, #tpu.memory_space<vmem>>) semaphore(%arg9 : memref<!tpu.dma_semaphore, #tpu.memory_space<semaphore_mem>>)
      %mul3A_17 = arith.constant 32 : i32
      %mul3A_18 = arith.muli %scan3A_10, %mul3A_17 : i32
      %add3A_19 = arith.addi %rem3A_3, %mul3A_18 : i32
      "tpu.region"() ({
        %run_scoped3A = tpu.sem_alloc : memref<!tpu.dma_semaphore, #tpu.memory_space<semaphore_mem>>
        %dma_start3A_34 = arith.constant 0 : i32
        %dma_start3A_35 = tpu.memref_slice %arg4[%add3A_19, %dma_start3A_34] : memref<2048x768xf32, #tpu.memory_space<hbm>> -> memref<32x768xf32, #tpu.memory_space<hbm>>
        %dma_start3A_36 = arith.constant 0 : i32
        %dma_start3A_37 = tpu.memref_slice %arg4[%add3A_19, %dma_start3A_36] : memref<2048x768xf32, #tpu.memory_space<hbm>> -> memref<32x768xf32, #tpu.memory_space<hbm>>
        tpu.enqueue_dma source(%dma_start3A_37 : memref<32x768xf32, #tpu.memory_space<hbm>>) target(%arg8 : memref<32x768xf32, #tpu.memory_space<vmem>>) target_semaphore(%run_scoped3A : memref<!tpu.dma_semaphore, #tpu.memory_space<semaphore_mem>>)
        %dma_wait3A_38 = arith.constant 0 : i32
        %dma_wait3A_39 = tpu.memref_slice %arg4[%add3A_19, %dma_wait3A_38] : memref<2048x768xf32, #tpu.memory_space<hbm>> -> memref<32x768xf32, #tpu.memory_space<hbm>>
        %dma_wait3A_40 = arith.constant 0 : i32
        %dma_wait3A_41 = tpu.memref_slice %arg4[%add3A_19, %dma_wait3A_40] : memref<2048x768xf32, #tpu.memory_space<hbm>> -> memref<32x768xf32, #tpu.memory_space<hbm>>
        tpu.wait_dma2 semaphore(%run_scoped3A : memref<!tpu.dma_semaphore, #tpu.memory_space<semaphore_mem>>) src(%dma_wait3A_41 : memref<32x768xf32, #tpu.memory_space<hbm>>) dst(%arg8 : memref<32x768xf32, #tpu.memory_space<vmem>>)
        tpu.yield
      }) : () -> ()
      %dma_wait3A = tpu.memref_slice %arg6[%mul3A_13] : memref<256xi32, #tpu.memory_space<vmem>> -> memref<32xi32, #tpu.memory_space<vmem>>
      %dma_wait3A_20 = arith.constant 0 : i32
      %dma_wait3A_21 = arith.constant 0 : i32
      %dma_wait3A_22 = tpu.memref_slice %arg3[%dma_wait3A_20, %dma_wait3A_21] : memref<100000x768xf32, #tpu.memory_space<hbm>> -> memref<100000x768xf32, #tpu.memory_space<hbm>>
      tpu.wait_indirect_dma semaphore(%arg9 : memref<!tpu.dma_semaphore, #tpu.memory_space<semaphore_mem>>) src(%dma_wait3A_22 : memref<100000x768xf32, #tpu.memory_space<hbm>>) dst(%arg7 : memref<32x768xf32, #tpu.memory_space<vmem>>)
      %scan3A_23 = arith.constant 0 : i32
      %scan3A_24 = arith.constant 0 : i32
      %scan3A_25 = arith.constant 32 : i32
      %scan3A_26 = arith.addi %scan3A_24, %scan3A_25 : i32
      %scan3A_27 = arith.constant 1 : i32
      %scan3A_28 = scf.for %scan3A_34 = %scan3A_24 to %scan3A_26 step %scan3A_27 iter_args(%scan3A_35 = %scan3A_23) -> (i32)  : i32 {
        %get3A = arith.index_cast %scan3A_34 : i32 to index
        %get3A_36 = arith.constant 0 : index
        %get3A_37 = tpu.vector_load %arg7[%get3A, %get3A_36] {strides = array<i32>} : memref<32x768xf32, #tpu.memory_space<vmem>>, vector<1x16xf32>,
        %get3A_38 = vector.shape_cast %get3A_37 : vector<1x16xf32> to vector<16xf32>
        %swap3A = arith.index_cast %scan3A_34 : i32 to index
        %swap3A_39 = arith.constant 0 : index
        %swap3A_40 = tpu.vector_load %arg8[%swap3A, %swap3A_39] {strides = array<i32>} : memref<32x768xf32, #tpu.memory_space<vmem>>, vector<1x16xf32>,
        %swap3A_41 = vector.shape_cast %swap3A_40 : vector<1x16xf32> to vector<16xf32>
        %swap3A_42 = vector.shape_cast %get3A_38 : vector<16xf32> to vector<1x16xf32>
        tpu.vector_store %arg8[%swap3A, %swap3A_39], %swap3A_42 {add = true, strides = array<i32>} : memref<32x768xf32, #tpu.memory_space<vmem>>, vector<1x16xf32>,
        %get3A_43 = arith.index_cast %scan3A_34 : i32 to index
        %get3A_44 = arith.constant 16 : index
        %get3A_45 = tpu.vector_load %arg7[%get3A_43, %get3A_44] {strides = array<i32>} : memref<32x768xf32, #tpu.memory_space<vmem>>, vector<1x16xf32>,
        %get3A_46 = vector.shape_cast %get3A_45 : vector<1x16xf32> to vector<16xf32>
        %swap3A_47 = arith.index_cast %scan3A_34 : i32 to index
        %swap3A_48 = arith.constant 16 : index
        %swap3A_49 = tpu.vector_load %arg8[%swap3A_47, %swap3A_48] {strides = array<i32>} : memref<32x768xf32, #tpu.memory_space<vmem>>, vector<1x16xf32>,
        %swap3A_50 = vector.shape_cast %swap3A_49 : vector<1x16xf32> to vector<16xf32>
        %swap3A_51 = vector.shape_cast %get3A_46 : vector<16xf32> to vector<1x16xf32>
        tpu.vector_store %arg8[%swap3A_47, %swap3A_48], %swap3A_51 {add = true, strides = array<i32>} : memref<32x768xf32, #tpu.memory_space<vmem>>, vector<1x16xf32>,
        %get3A_52 = arith.index_cast %scan3A_34 : i32 to index
        %get3A_53 = arith.constant 32 : index
        %get3A_54 = tpu.vector_load %arg7[%get3A_52, %get3A_53] {strides = array<i32>} : memref<32x768xf32, #tpu.memory_space<vmem>>, vector<1x16xf32>,
        %get3A_55 = vector.shape_cast %get3A_54 : vector<1x16xf32> to vector<16xf32>
        %swap3A_56 = arith.index_cast %scan3A_34 : i32 to index
        %swap3A_57 = arith.constant 32 : index
        %swap3A_58 = tpu.vector_load %arg8[%swap3A_56, %swap3A_57] {strides = array<i32>} : memref<32x768xf32, #tpu.memory_space<vmem>>, vector<1x16xf32>,
        %swap3A_59 = vector.shape_cast %swap3A_58 : vector<1x16xf32> to vector<16xf32>
        %swap3A_60 = vector.shape_cast %get3A_55 : vector<16xf32> to vector<1x16xf32>
        tpu.vector_store %arg8[%swap3A_56, %swap3A_57], %swap3A_60 {add = true, strides = array<i32>} : memref<32x768xf32, #tpu.memory_space<vmem>>, vector<1x16xf32>,
        %get3A_61 = arith.index_cast %scan3A_34 : i32 to index
        %get3A_62 = arith.constant 48 : index
        %get3A_63 = tpu.vector_load %arg7[%get3A_61, %get3A_62] {strides = array<i32>} : memref<32x768xf32, #tpu.memory_space<vmem>>, vector<1x16xf32>,
        %get3A_64 = vector.shape_cast %get3A_63 : vector<1x16xf32> to vector<16xf32>
        %swap3A_65 = arith.index_cast %scan3A_34 : i32 to index
        %swap3A_66 = arith.constant 48 : index
        %swap3A_67 = tpu.vector_load %arg8[%swap3A_65, %swap3A_66] {strides = array<i32>} : memref<32x768xf32, #tpu.memory_space<vmem>>, vector<1x16xf32>,
        %swap3A_68 = vector.shape_cast %swap3A_67 : vector<1x16xf32> to vector<16xf32>
        %swap3A_69 = vector.shape_cast %get3A_64 : vector<16xf32> to vector<1x16xf32>
        tpu.vector_store %arg8[%swap3A_65, %swap3A_66], %swap3A_69 {add = true, strides = array<i32>} : memref<32x768xf32, #tpu.memory_space<vmem>>, vector<1x16xf32>,
        %get3A_70 = arith.index_cast %scan3A_34 : i32 to index
        %get3A_71 = arith.constant 64 : index
        %get3A_72 = tpu.vector_load %arg7[%get3A_70, %get3A_71] {strides = array<i32>} : memref<32x768xf32, #tpu.memory_space<vmem>>, vector<1x16xf32>,
        %get3A_73 = vector.shape_cast %get3A_72 : vector<1x16xf32> to vector<16xf32>
        %swap3A_74 = arith.index_cast %scan3A_34 : i32 to index
        %swap3A_75 = arith.constant 64 : index
        %swap3A_76 = tpu.vector_load %arg8[%swap3A_74, %swap3A_75] {strides = array<i32>} : memref<32x768xf32, #tpu.memory_space<vmem>>, vector<1x16xf32>,
        %swap3A_77 = vector.shape_cast %swap3A_76 : vector<1x16xf32> to vector<16xf32>
        %swap3A_78 = vector.shape_cast %get3A_73 : vector<16xf32> to vector<1x16xf32>
        tpu.vector_store %arg8[%swap3A_74, %swap3A_75], %swap3A_78 {add = true, strides = array<i32>} : memref<32x768xf32, #tpu.memory_space<vmem>>, vector<1x16xf32>,
        %get3A_79 = arith.index_cast %scan3A_34 : i32 to index
        %get3A_80 = arith.constant 80 : index
        %get3A_81 = tpu.vector_load %arg7[%get3A_79, %get3A_80] {strides = array<i32>} : memref<32x768xf32, #tpu.memory_space<vmem>>, vector<1x16xf32>,
        %get3A_82 = vector.shape_cast %get3A_81 : vector<1x16xf32> to vector<16xf32>
        %swap3A_83 = arith.index_cast %scan3A_34 : i32 to index
        %swap3A_84 = arith.constant 80 : index
        %swap3A_85 = tpu.vector_load %arg8[%swap3A_83, %swap3A_84] {strides = array<i32>} : memref<32x768xf32, #tpu.memory_space<vmem>>, vector<1x16xf32>,
        %swap3A_86 = vector.shape_cast %swap3A_85 : vector<1x16xf32> to vector<16xf32>
        %swap3A_87 = vector.shape_cast %get3A_82 : vector<16xf32> to vector<1x16xf32>
        tpu.vector_store %arg8[%swap3A_83, %swap3A_84], %swap3A_87 {add = true, strides = array<i32>} : memref<32x768xf32, #tpu.memory_space<vmem>>, vector<1x16xf32>,
        %get3A_88 = arith.index_cast %scan3A_34 : i32 to index
        %get3A_89 = arith.constant 96 : index
        %get3A_90 = tpu.vector_load %arg7[%get3A_88, %get3A_89] {strides = array<i32>} : memref<32x768xf32, #tpu.memory_space<vmem>>, vector<1x16xf32>,
        %get3A_91 = vector.shape_cast %get3A_90 : vector<1x16xf32> to vector<16xf32>
        %swap3A_92 = arith.index_cast %scan3A_34 : i32 to index
        %swap3A_93 = arith.constant 96 : index
        %swap3A_94 = tpu.vector_load %arg8[%swap3A_92, %swap3A_93] {strides = array<i32>} : memref<32x768xf32, #tpu.memory_space<vmem>>, vector<1x16xf32>,
        %swap3A_95 = vector.shape_cast %swap3A_94 : vector<1x16xf32> to vector<16xf32>
        %swap3A_96 = vector.shape_cast %get3A_91 : vector<16xf32> to vector<1x16xf32>
        tpu.vector_store %arg8[%swap3A_92, %swap3A_93], %swap3A_96 {add = true, strides = array<i32>} : memref<32x768xf32, #tpu.memory_space<vmem>>, vector<1x16xf32>,
        %get3A_97 = arith.index_cast %scan3A_34 : i32 to index
        %get3A_98 = arith.constant 112 : index
        %get3A_99 = tpu.vector_load %arg7[%get3A_97, %get3A_98] {strides = array<i32>} : memref<32x768xf32, #tpu.memory_space<vmem>>, vector<1x16xf32>,
        %get3A_100 = vector.shape_cast %get3A_99 : vector<1x16xf32> to vector<16xf32>
        %swap3A_101 = arith.index_cast %scan3A_34 : i32 to index
        %swap3A_102 = arith.constant 112 : index
        %swap3A_103 = tpu.vector_load %arg8[%swap3A_101, %swap3A_102] {strides = array<i32>} : memref<32x768xf32, #tpu.memory_space<vmem>>, vector<1x16xf32>,
        %swap3A_104 = vector.shape_cast %swap3A_103 : vector<1x16xf32> to vector<16xf32>
        %swap3A_105 = vector.shape_cast %get3A_100 : vector<16xf32> to vector<1x16xf32>
        tpu.vector_store %arg8[%swap3A_101, %swap3A_102], %swap3A_105 {add = true, strides = array<i32>} : memref<32x768xf32, #tpu.memory_space<vmem>>, vector<1x16xf32>,
        %get3A_106 = arith.index_cast %scan3A_34 : i32 to index
        %get3A_107 = arith.constant 128 : index
        %get3A_108 = tpu.vector_load %arg7[%get3A_106, %get3A_107] {strides = array<i32>} : memref<32x768xf32, #tpu.memory_space<vmem>>, vector<1x16xf32>,
        %get3A_109 = vector.shape_cast %get3A_108 : vector<1x16xf32> to vector<16xf32>
        %swap3A_110 = arith.index_cast %scan3A_34 : i32 to index
        %swap3A_111 = arith.constant 128 : index
        %swap3A_112 = tpu.vector_load %arg8[%swap3A_110, %swap3A_111] {strides = array<i32>} : memref<32x768xf32, #tpu.memory_space<vmem>>, vector<1x16xf32>,
        %swap3A_113 = vector.shape_cast %swap3A_112 : vector<1x16xf32> to vector<16xf32>
        %swap3A_114 = vector.shape_cast %get3A_109 : vector<16xf32> to vector<1x16xf32>
        tpu.vector_store %arg8[%swap3A_110, %swap3A_111], %swap3A_114 {add = true, strides = array<i32>} : memref<32x768xf32, #tpu.memory_space<vmem>>, vector<1x16xf32>,
        %get3A_115 = arith.index_cast %scan3A_34 : i32 to index
        %get3A_116 = arith.constant 144 : index
        %get3A_117 = tpu.vector_load %arg7[%get3A_115, %get3A_116] {strides = array<i32>} : memref<32x768xf32, #tpu.memory_space<vmem>>, vector<1x16xf32>,
        %get3A_118 = vector.shape_cast %get3A_117 : vector<1x16xf32> to vector<16xf32>
        %swap3A_119 = arith.index_cast %scan3A_34 : i32 to index
        %swap3A_120 = arith.constant 144 : index
        %swap3A_121 = tpu.vector_load %arg8[%swap3A_119, %swap3A_120] {strides = array<i32>} : memref<32x768xf32, #tpu.memory_space<vmem>>, vector<1x16xf32>,
        %swap3A_122 = vector.shape_cast %swap3A_121 : vector<1x16xf32> to vector<16xf32>
        %swap3A_123 = vector.shape_cast %get3A_118 : vector<16xf32> to vector<1x16xf32>
        tpu.vector_store %arg8[%swap3A_119, %swap3A_120], %swap3A_123 {add = true, strides = array<i32>} : memref<32x768xf32, #tpu.memory_space<vmem>>, vector<1x16xf32>,
        %get3A_124 = arith.index_cast %scan3A_34 : i32 to index
        %get3A_125 = arith.constant 160 : index
        %get3A_126 = tpu.vector_load %arg7[%get3A_124, %get3A_125] {strides = array<i32>} : memref<32x768xf32, #tpu.memory_space<vmem>>, vector<1x16xf32>,
        %get3A_127 = vector.shape_cast %get3A_126 : vector<1x16xf32> to vector<16xf32>
        %swap3A_128 = arith.index_cast %scan3A_34 : i32 to index
        %swap3A_129 = arith.constant 160 : index
        %swap3A_130 = tpu.vector_load %arg8[%swap3A_128, %swap3A_129] {strides = array<i32>} : memref<32x768xf32, #tpu.memory_space<vmem>>, vector<1x16xf32>,
        %swap3A_131 = vector.shape_cast %swap3A_130 : vector<1x16xf32> to vector<16xf32>
        %swap3A_132 = vector.shape_cast %get3A_127 : vector<16xf32> to vector<1x16xf32>
        tpu.vector_store %arg8[%swap3A_128, %swap3A_129], %swap3A_132 {add = true, strides = array<i32>} : memref<32x768xf32, #tpu.memory_space<vmem>>, vector<1x16xf32>,
        %get3A_133 = arith.index_cast %scan3A_34 : i32 to index
        %get3A_134 = arith.constant 176 : index
        %get3A_135 = tpu.vector_load %arg7[%get3A_133, %get3A_134] {strides = array<i32>} : memref<32x768xf32, #tpu.memory_space<vmem>>, vector<1x16xf32>,
        %get3A_136 = vector.shape_cast %get3A_135 : vector<1x16xf32> to vector<16xf32>
        %swap3A_137 = arith.index_cast %scan3A_34 : i32 to index
        %swap3A_138 = arith.constant 176 : index
        %swap3A_139 = tpu.vector_load %arg8[%swap3A_137, %swap3A_138] {strides = array<i32>} : memref<32x768xf32, #tpu.memory_space<vmem>>, vector<1x16xf32>,
        %swap3A_140 = vector.shape_cast %swap3A_139 : vector<1x16xf32> to vector<16xf32>
        %swap3A_141 = vector.shape_cast %get3A_136 : vector<16xf32> to vector<1x16xf32>
        tpu.vector_store %arg8[%swap3A_137, %swap3A_138], %swap3A_141 {add = true, strides = array<i32>} : memref<32x768xf32, #tpu.memory_space<vmem>>, vector<1x16xf32>,
        %get3A_142 = arith.index_cast %scan3A_34 : i32 to index
        %get3A_143 = arith.constant 192 : index
        %get3A_144 = tpu.vector_load %arg7[%get3A_142, %get3A_143] {strides = array<i32>} : memref<32x768xf32, #tpu.memory_space<vmem>>, vector<1x16xf32>,
        %get3A_145 = vector.shape_cast %get3A_144 : vector<1x16xf32> to vector<16xf32>
        %swap3A_146 = arith.index_cast %scan3A_34 : i32 to index
        %swap3A_147 = arith.constant 192 : index
        %swap3A_148 = tpu.vector_load %arg8[%swap3A_146, %swap3A_147] {strides = array<i32>} : memref<32x768xf32, #tpu.memory_space<vmem>>, vector<1x16xf32>,
        %swap3A_149 = vector.shape_cast %swap3A_148 : vector<1x16xf32> to vector<16xf32>
        %swap3A_150 = vector.shape_cast %get3A_145 : vector<16xf32> to vector<1x16xf32>
        tpu.vector_store %arg8[%swap3A_146, %swap3A_147], %swap3A_150 {add = true, strides = array<i32>} : memref<32x768xf32, #tpu.memory_space<vmem>>, vector<1x16xf32>,
        %get3A_151 = arith.index_cast %scan3A_34 : i32 to index
        %get3A_152 = arith.constant 208 : index
        %get3A_153 = tpu.vector_load %arg7[%get3A_151, %get3A_152] {strides = array<i32>} : memref<32x768xf32, #tpu.memory_space<vmem>>, vector<1x16xf32>,
        %get3A_154 = vector.shape_cast %get3A_153 : vector<1x16xf32> to vector<16xf32>
        %swap3A_155 = arith.index_cast %scan3A_34 : i32 to index
        %swap3A_156 = arith.constant 208 : index
        %swap3A_157 = tpu.vector_load %arg8[%swap3A_155, %swap3A_156] {strides = array<i32>} : memref<32x768xf32, #tpu.memory_space<vmem>>, vector<1x16xf32>,
        %swap3A_158 = vector.shape_cast %swap3A_157 : vector<1x16xf32> to vector<16xf32>
        %swap3A_159 = vector.shape_cast %get3A_154 : vector<16xf32> to vector<1x16xf32>
        tpu.vector_store %arg8[%swap3A_155, %swap3A_156], %swap3A_159 {add = true, strides = array<i32>} : memref<32x768xf32, #tpu.memory_space<vmem>>, vector<1x16xf32>,
        %get3A_160 = arith.index_cast %scan3A_34 : i32 to index
        %get3A_161 = arith.constant 224 : index
        %get3A_162 = tpu.vector_load %arg7[%get3A_160, %get3A_161] {strides = array<i32>} : memref<32x768xf32, #tpu.memory_space<vmem>>, vector<1x16xf32>,
        %get3A_163 = vector.shape_cast %get3A_162 : vector<1x16xf32> to vector<16xf32>
        %swap3A_164 = arith.index_cast %scan3A_34 : i32 to index
        %swap3A_165 = arith.constant 224 : index
        %swap3A_166 = tpu.vector_load %arg8[%swap3A_164, %swap3A_165] {strides = array<i32>} : memref<32x768xf32, #tpu.memory_space<vmem>>, vector<1x16xf32>,
        %swap3A_167 = vector.shape_cast %swap3A_166 : vector<1x16xf32> to vector<16xf32>
        %swap3A_168 = vector.shape_cast %get3A_163 : vector<16xf32> to vector<1x16xf32>
        tpu.vector_store %arg8[%swap3A_164, %swap3A_165], %swap3A_168 {add = true, strides = array<i32>} : memref<32x768xf32, #tpu.memory_space<vmem>>, vector<1x16xf32>,
        %get3A_169 = arith.index_cast %scan3A_34 : i32 to index
        %get3A_170 = arith.constant 240 : index
        %get3A_171 = tpu.vector_load %arg7[%get3A_169, %get3A_170] {strides = array<i32>} : memref<32x768xf32, #tpu.memory_space<vmem>>, vector<1x16xf32>,
        %get3A_172 = vector.shape_cast %get3A_171 : vector<1x16xf32> to vector<16xf32>
        %swap3A_173 = arith.index_cast %scan3A_34 : i32 to index
        %swap3A_174 = arith.constant 240 : index
        %swap3A_175 = tpu.vector_load %arg8[%swap3A_173, %swap3A_174] {strides = array<i32>} : memref<32x768xf32, #tpu.memory_space<vmem>>, vector<1x16xf32>,
        %swap3A_176 = vector.shape_cast %swap3A_175 : vector<1x16xf32> to vector<16xf32>
        %swap3A_177 = vector.shape_cast %get3A_172 : vector<16xf32> to vector<1x16xf32>
        tpu.vector_store %arg8[%swap3A_173, %swap3A_174], %swap3A_177 {add = true, strides = array<i32>} : memref<32x768xf32, #tpu.memory_space<vmem>>, vector<1x16xf32>,
        %get3A_178 = arith.index_cast %scan3A_34 : i32 to index
        %get3A_179 = arith.constant 256 : index
        %get3A_180 = tpu.vector_load %arg7[%get3A_178, %get3A_179] {strides = array<i32>} : memref<32x768xf32, #tpu.memory_space<vmem>>, vector<1x16xf32>,
        %get3A_181 = vector.shape_cast %get3A_180 : vector<1x16xf32> to vector<16xf32>
        %swap3A_182 = arith.index_cast %scan3A_34 : i32 to index
        %swap3A_183 = arith.constant 256 : index
        %swap3A_184 = tpu.vector_load %arg8[%swap3A_182, %swap3A_183] {strides = array<i32>} : memref<32x768xf32, #tpu.memory_space<vmem>>, vector<1x16xf32>,
        %swap3A_185 = vector.shape_cast %swap3A_184 : vector<1x16xf32> to vector<16xf32>
        %swap3A_186 = vector.shape_cast %get3A_181 : vector<16xf32> to vector<1x16xf32>
        tpu.vector_store %arg8[%swap3A_182, %swap3A_183], %swap3A_186 {add = true, strides = array<i32>} : memref<32x768xf32, #tpu.memory_space<vmem>>, vector<1x16xf32>,
        %get3A_187 = arith.index_cast %scan3A_34 : i32 to index
        %get3A_188 = arith.constant 272 : index
        %get3A_189 = tpu.vector_load %arg7[%get3A_187, %get3A_188] {strides = array<i32>} : memref<32x768xf32, #tpu.memory_space<vmem>>, vector<1x16xf32>,
        %get3A_190 = vector.shape_cast %get3A_189 : vector<1x16xf32> to vector<16xf32>
        %swap3A_191 = arith.index_cast %scan3A_34 : i32 to index
        %swap3A_192 = arith.constant 272 : index
        %swap3A_193 = tpu.vector_load %arg8[%swap3A_191, %swap3A_192] {strides = array<i32>} : memref<32x768xf32, #tpu.memory_space<vmem>>, vector<1x16xf32>,
        %swap3A_194 = vector.shape_cast %swap3A_193 : vector<1x16xf32> to vector<16xf32>
        %swap3A_195 = vector.shape_cast %get3A_190 : vector<16xf32> to vector<1x16xf32>
        tpu.vector_store %arg8[%swap3A_191, %swap3A_192], %swap3A_195 {add = true, strides = array<i32>} : memref<32x768xf32, #tpu.memory_space<vmem>>, vector<1x16xf32>,
        %get3A_196 = arith.index_cast %scan3A_34 : i32 to index
        %get3A_197 = arith.constant 288 : index
        %get3A_198 = tpu.vector_load %arg7[%get3A_196, %get3A_197] {strides = array<i32>} : memref<32x768xf32, #tpu.memory_space<vmem>>, vector<1x16xf32>,
        %get3A_199 = vector.shape_cast %get3A_198 : vector<1x16xf32> to vector<16xf32>
        %swap3A_200 = arith.index_cast %scan3A_34 : i32 to index
        %swap3A_201 = arith.constant 288 : index
        %swap3A_202 = tpu.vector_load %arg8[%swap3A_200, %swap3A_201] {strides = array<i32>} : memref<32x768xf32, #tpu.memory_space<vmem>>, vector<1x16xf32>,
        %swap3A_203 = vector.shape_cast %swap3A_202 : vector<1x16xf32> to vector<16xf32>
        %swap3A_204 = vector.shape_cast %get3A_199 : vector<16xf32> to vector<1x16xf32>
        tpu.vector_store %arg8[%swap3A_200, %swap3A_201], %swap3A_204 {add = true, strides = array<i32>} : memref<32x768xf32, #tpu.memory_space<vmem>>, vector<1x16xf32>,
        %get3A_205 = arith.index_cast %scan3A_34 : i32 to index
        %get3A_206 = arith.constant 304 : index
        %get3A_207 = tpu.vector_load %arg7[%get3A_205, %get3A_206] {strides = array<i32>} : memref<32x768xf32, #tpu.memory_space<vmem>>, vector<1x16xf32>,
        %get3A_208 = vector.shape_cast %get3A_207 : vector<1x16xf32> to vector<16xf32>
        %swap3A_209 = arith.index_cast %scan3A_34 : i32 to index
        %swap3A_210 = arith.constant 304 : index
        %swap3A_211 = tpu.vector_load %arg8[%swap3A_209, %swap3A_210] {strides = array<i32>} : memref<32x768xf32, #tpu.memory_space<vmem>>, vector<1x16xf32>,
        %swap3A_212 = vector.shape_cast %swap3A_211 : vector<1x16xf32> to vector<16xf32>
        %swap3A_213 = vector.shape_cast %get3A_208 : vector<16xf32> to vector<1x16xf32>
        tpu.vector_store %arg8[%swap3A_209, %swap3A_210], %swap3A_213 {add = true, strides = array<i32>} : memref<32x768xf32, #tpu.memory_space<vmem>>, vector<1x16xf32>,
        %get3A_214 = arith.index_cast %scan3A_34 : i32 to index
        %get3A_215 = arith.constant 320 : index
        %get3A_216 = tpu.vector_load %arg7[%get3A_214, %get3A_215] {strides = array<i32>} : memref<32x768xf32, #tpu.memory_space<vmem>>, vector<1x16xf32>,
        %get3A_217 = vector.shape_cast %get3A_216 : vector<1x16xf32> to vector<16xf32>
        %swap3A_218 = arith.index_cast %scan3A_34 : i32 to index
        %swap3A_219 = arith.constant 320 : index
        %swap3A_220 = tpu.vector_load %arg8[%swap3A_218, %swap3A_219] {strides = array<i32>} : memref<32x768xf32, #tpu.memory_space<vmem>>, vector<1x16xf32>,
        %swap3A_221 = vector.shape_cast %swap3A_220 : vector<1x16xf32> to vector<16xf32>
        %swap3A_222 = vector.shape_cast %get3A_217 : vector<16xf32> to vector<1x16xf32>
        tpu.vector_store %arg8[%swap3A_218, %swap3A_219], %swap3A_222 {add = true, strides = array<i32>} : memref<32x768xf32, #tpu.memory_space<vmem>>, vector<1x16xf32>,
        %get3A_223 = arith.index_cast %scan3A_34 : i32 to index
        %get3A_224 = arith.constant 336 : index
        %get3A_225 = tpu.vector_load %arg7[%get3A_223, %get3A_224] {strides = array<i32>} : memref<32x768xf32, #tpu.memory_space<vmem>>, vector<1x16xf32>,
        %get3A_226 = vector.shape_cast %get3A_225 : vector<1x16xf32> to vector<16xf32>
        %swap3A_227 = arith.index_cast %scan3A_34 : i32 to index
        %swap3A_228 = arith.constant 336 : index
        %swap3A_229 = tpu.vector_load %arg8[%swap3A_227, %swap3A_228] {strides = array<i32>} : memref<32x768xf32, #tpu.memory_space<vmem>>, vector<1x16xf32>,
        %swap3A_230 = vector.shape_cast %swap3A_229 : vector<1x16xf32> to vector<16xf32>
        %swap3A_231 = vector.shape_cast %get3A_226 : vector<16xf32> to vector<1x16xf32>
        tpu.vector_store %arg8[%swap3A_227, %swap3A_228], %swap3A_231 {add = true, strides = array<i32>} : memref<32x768xf32, #tpu.memory_space<vmem>>, vector<1x16xf32>,
        %get3A_232 = arith.index_cast %scan3A_34 : i32 to index
        %get3A_233 = arith.constant 352 : index
        %get3A_234 = tpu.vector_load %arg7[%get3A_232, %get3A_233] {strides = array<i32>} : memref<32x768xf32, #tpu.memory_space<vmem>>, vector<1x16xf32>,
        %get3A_235 = vector.shape_cast %get3A_234 : vector<1x16xf32> to vector<16xf32>
        %swap3A_236 = arith.index_cast %scan3A_34 : i32 to index
        %swap3A_237 = arith.constant 352 : index
        %swap3A_238 = tpu.vector_load %arg8[%swap3A_236, %swap3A_237] {strides = array<i32>} : memref<32x768xf32, #tpu.memory_space<vmem>>, vector<1x16xf32>,
        %swap3A_239 = vector.shape_cast %swap3A_238 : vector<1x16xf32> to vector<16xf32>
        %swap3A_240 = vector.shape_cast %get3A_235 : vector<16xf32> to vector<1x16xf32>
        tpu.vector_store %arg8[%swap3A_236, %swap3A_237], %swap3A_240 {add = true, strides = array<i32>} : memref<32x768xf32, #tpu.memory_space<vmem>>, vector<1x16xf32>,
        %get3A_241 = arith.index_cast %scan3A_34 : i32 to index
        %get3A_242 = arith.constant 368 : index
        %get3A_243 = tpu.vector_load %arg7[%get3A_241, %get3A_242] {strides = array<i32>} : memref<32x768xf32, #tpu.memory_space<vmem>>, vector<1x16xf32>,
        %get3A_244 = vector.shape_cast %get3A_243 : vector<1x16xf32> to vector<16xf32>
        %swap3A_245 = arith.index_cast %scan3A_34 : i32 to index
        %swap3A_246 = arith.constant 368 : index
        %swap3A_247 = tpu.vector_load %arg8[%swap3A_245, %swap3A_246] {strides = array<i32>} : memref<32x768xf32, #tpu.memory_space<vmem>>, vector<1x16xf32>,
        %swap3A_248 = vector.shape_cast %swap3A_247 : vector<1x16xf32> to vector<16xf32>
        %swap3A_249 = vector.shape_cast %get3A_244 : vector<16xf32> to vector<1x16xf32>
        tpu.vector_store %arg8[%swap3A_245, %swap3A_246], %swap3A_249 {add = true, strides = array<i32>} : memref<32x768xf32, #tpu.memory_space<vmem>>, vector<1x16xf32>,
        %get3A_250 = arith.index_cast %scan3A_34 : i32 to index
        %get3A_251 = arith.constant 384 : index
        %get3A_252 = tpu.vector_load %arg7[%get3A_250, %get3A_251] {strides = array<i32>} : memref<32x768xf32, #tpu.memory_space<vmem>>, vector<1x16xf32>,
        %get3A_253 = vector.shape_cast %get3A_252 : vector<1x16xf32> to vector<16xf32>
        %swap3A_254 = arith.index_cast %scan3A_34 : i32 to index
        %swap3A_255 = arith.constant 384 : index
        %swap3A_256 = tpu.vector_load %arg8[%swap3A_254, %swap3A_255] {strides = array<i32>} : memref<32x768xf32, #tpu.memory_space<vmem>>, vector<1x16xf32>,
        %swap3A_257 = vector.shape_cast %swap3A_256 : vector<1x16xf32> to vector<16xf32>
        %swap3A_258 = vector.shape_cast %get3A_253 : vector<16xf32> to vector<1x16xf32>
        tpu.vector_store %arg8[%swap3A_254, %swap3A_255], %swap3A_258 {add = true, strides = array<i32>} : memref<32x768xf32, #tpu.memory_space<vmem>>, vector<1x16xf32>,
        %get3A_259 = arith.index_cast %scan3A_34 : i32 to index
        %get3A_260 = arith.constant 400 : index
        %get3A_261 = tpu.vector_load %arg7[%get3A_259, %get3A_260] {strides = array<i32>} : memref<32x768xf32, #tpu.memory_space<vmem>>, vector<1x16xf32>,
        %get3A_262 = vector.shape_cast %get3A_261 : vector<1x16xf32> to vector<16xf32>
        %swap3A_263 = arith.index_cast %scan3A_34 : i32 to index
        %swap3A_264 = arith.constant 400 : index
        %swap3A_265 = tpu.vector_load %arg8[%swap3A_263, %swap3A_264] {strides = array<i32>} : memref<32x768xf32, #tpu.memory_space<vmem>>, vector<1x16xf32>,
        %swap3A_266 = vector.shape_cast %swap3A_265 : vector<1x16xf32> to vector<16xf32>
        %swap3A_267 = vector.shape_cast %get3A_262 : vector<16xf32> to vector<1x16xf32>
        tpu.vector_store %arg8[%swap3A_263, %swap3A_264], %swap3A_267 {add = true, strides = array<i32>} : memref<32x768xf32, #tpu.memory_space<vmem>>, vector<1x16xf32>,
        %get3A_268 = arith.index_cast %scan3A_34 : i32 to index
        %get3A_269 = arith.constant 416 : index
        %get3A_270 = tpu.vector_load %arg7[%get3A_268, %get3A_269] {strides = array<i32>} : memref<32x768xf32, #tpu.memory_space<vmem>>, vector<1x16xf32>,
        %get3A_271 = vector.shape_cast %get3A_270 : vector<1x16xf32> to vector<16xf32>
        %swap3A_272 = arith.index_cast %scan3A_34 : i32 to index
        %swap3A_273 = arith.constant 416 : index
        %swap3A_274 = tpu.vector_load %arg8[%swap3A_272, %swap3A_273] {strides = array<i32>} : memref<32x768xf32, #tpu.memory_space<vmem>>, vector<1x16xf32>,
        %swap3A_275 = vector.shape_cast %swap3A_274 : vector<1x16xf32> to vector<16xf32>
        %swap3A_276 = vector.shape_cast %get3A_271 : vector<16xf32> to vector<1x16xf32>
        tpu.vector_store %arg8[%swap3A_272, %swap3A_273], %swap3A_276 {add = true, strides = array<i32>} : memref<32x768xf32, #tpu.memory_space<vmem>>, vector<1x16xf32>,
        %get3A_277 = arith.index_cast %scan3A_34 : i32 to index
        %get3A_278 = arith.constant 432 : index
        %get3A_279 = tpu.vector_load %arg7[%get3A_277, %get3A_278] {strides = array<i32>} : memref<32x768xf32, #tpu.memory_space<vmem>>, vector<1x16xf32>,
        %get3A_280 = vector.shape_cast %get3A_279 : vector<1x16xf32> to vector<16xf32>
        %swap3A_281 = arith.index_cast %scan3A_34 : i32 to index
        %swap3A_282 = arith.constant 432 : index
        %swap3A_283 = tpu.vector_load %arg8[%swap3A_281, %swap3A_282] {strides = array<i32>} : memref<32x768xf32, #tpu.memory_space<vmem>>, vector<1x16xf32>,
        %swap3A_284 = vector.shape_cast %swap3A_283 : vector<1x16xf32> to vector<16xf32>
        %swap3A_285 = vector.shape_cast %get3A_280 : vector<16xf32> to vector<1x16xf32>
        tpu.vector_store %arg8[%swap3A_281, %swap3A_282], %swap3A_285 {add = true, strides = array<i32>} : memref<32x768xf32, #tpu.memory_space<vmem>>, vector<1x16xf32>,
        %get3A_286 = arith.index_cast %scan3A_34 : i32 to index
        %get3A_287 = arith.constant 448 : index
        %get3A_288 = tpu.vector_load %arg7[%get3A_286, %get3A_287] {strides = array<i32>} : memref<32x768xf32, #tpu.memory_space<vmem>>, vector<1x16xf32>,
        %get3A_289 = vector.shape_cast %get3A_288 : vector<1x16xf32> to vector<16xf32>
        %swap3A_290 = arith.index_cast %scan3A_34 : i32 to index
        %swap3A_291 = arith.constant 448 : index
        %swap3A_292 = tpu.vector_load %arg8[%swap3A_290, %swap3A_291] {strides = array<i32>} : memref<32x768xf32, #tpu.memory_space<vmem>>, vector<1x16xf32>,
        %swap3A_293 = vector.shape_cast %swap3A_292 : vector<1x16xf32> to vector<16xf32>
        %swap3A_294 = vector.shape_cast %get3A_289 : vector<16xf32> to vector<1x16xf32>
        tpu.vector_store %arg8[%swap3A_290, %swap3A_291], %swap3A_294 {add = true, strides = array<i32>} : memref<32x768xf32, #tpu.memory_space<vmem>>, vector<1x16xf32>,
        %get3A_295 = arith.index_cast %scan3A_34 : i32 to index
        %get3A_296 = arith.constant 464 : index
        %get3A_297 = tpu.vector_load %arg7[%get3A_295, %get3A_296] {strides = array<i32>} : memref<32x768xf32, #tpu.memory_space<vmem>>, vector<1x16xf32>,
        %get3A_298 = vector.shape_cast %get3A_297 : vector<1x16xf32> to vector<16xf32>
        %swap3A_299 = arith.index_cast %scan3A_34 : i32 to index
        %swap3A_300 = arith.constant 464 : index
        %swap3A_301 = tpu.vector_load %arg8[%swap3A_299, %swap3A_300] {strides = array<i32>} : memref<32x768xf32, #tpu.memory_space<vmem>>, vector<1x16xf32>,
        %swap3A_302 = vector.shape_cast %swap3A_301 : vector<1x16xf32> to vector<16xf32>
        %swap3A_303 = vector.shape_cast %get3A_298 : vector<16xf32> to vector<1x16xf32>
        tpu.vector_store %arg8[%swap3A_299, %swap3A_300], %swap3A_303 {add = true, strides = array<i32>} : memref<32x768xf32, #tpu.memory_space<vmem>>, vector<1x16xf32>,
        %get3A_304 = arith.index_cast %scan3A_34 : i32 to index
        %get3A_305 = arith.constant 480 : index
        %get3A_306 = tpu.vector_load %arg7[%get3A_304, %get3A_305] {strides = array<i32>} : memref<32x768xf32, #tpu.memory_space<vmem>>, vector<1x16xf32>,
        %get3A_307 = vector.shape_cast %get3A_306 : vector<1x16xf32> to vector<16xf32>
        %swap3A_308 = arith.index_cast %scan3A_34 : i32 to index
        %swap3A_309 = arith.constant 480 : index
        %swap3A_310 = tpu.vector_load %arg8[%swap3A_308, %swap3A_309] {strides = array<i32>} : memref<32x768xf32, #tpu.memory_space<vmem>>, vector<1x16xf32>,
        %swap3A_311 = vector.shape_cast %swap3A_310 : vector<1x16xf32> to vector<16xf32>
        %swap3A_312 = vector.shape_cast %get3A_307 : vector<16xf32> to vector<1x16xf32>
        tpu.vector_store %arg8[%swap3A_308, %swap3A_309], %swap3A_312 {add = true, strides = array<i32>} : memref<32x768xf32, #tpu.memory_space<vmem>>, vector<1x16xf32>,
        %get3A_313 = arith.index_cast %scan3A_34 : i32 to index
        %get3A_314 = arith.constant 496 : index
        %get3A_315 = tpu.vector_load %arg7[%get3A_313, %get3A_314] {strides = array<i32>} : memref<32x768xf32, #tpu.memory_space<vmem>>, vector<1x16xf32>,
        %get3A_316 = vector.shape_cast %get3A_315 : vector<1x16xf32> to vector<16xf32>
        %swap3A_317 = arith.index_cast %scan3A_34 : i32 to index
        %swap3A_318 = arith.constant 496 : index
        %swap3A_319 = tpu.vector_load %arg8[%swap3A_317, %swap3A_318] {strides = array<i32>} : memref<32x768xf32, #tpu.memory_space<vmem>>, vector<1x16xf32>,
        %swap3A_320 = vector.shape_cast %swap3A_319 : vector<1x16xf32> to vector<16xf32>
        %swap3A_321 = vector.shape_cast %get3A_316 : vector<16xf32> to vector<1x16xf32>
        tpu.vector_store %arg8[%swap3A_317, %swap3A_318], %swap3A_321 {add = true, strides = array<i32>} : memref<32x768xf32, #tpu.memory_space<vmem>>, vector<1x16xf32>,
        %get3A_322 = arith.index_cast %scan3A_34 : i32 to index
        %get3A_323 = arith.constant 512 : index
        %get3A_324 = tpu.vector_load %arg7[%get3A_322, %get3A_323] {strides = array<i32>} : memref<32x768xf32, #tpu.memory_space<vmem>>, vector<1x16xf32>,
        %get3A_325 = vector.shape_cast %get3A_324 : vector<1x16xf32> to vector<16xf32>
        %swap3A_326 = arith.index_cast %scan3A_34 : i32 to index
        %swap3A_327 = arith.constant 512 : index
        %swap3A_328 = tpu.vector_load %arg8[%swap3A_326, %swap3A_327] {strides = array<i32>} : memref<32x768xf32, #tpu.memory_space<vmem>>, vector<1x16xf32>,
        %swap3A_329 = vector.shape_cast %swap3A_328 : vector<1x16xf32> to vector<16xf32>
        %swap3A_330 = vector.shape_cast %get3A_325 : vector<16xf32> to vector<1x16xf32>
        tpu.vector_store %arg8[%swap3A_326, %swap3A_327], %swap3A_330 {add = true, strides = array<i32>} : memref<32x768xf32, #tpu.memory_space<vmem>>, vector<1x16xf32>,
        %get3A_331 = arith.index_cast %scan3A_34 : i32 to index
        %get3A_332 = arith.constant 528 : index
        %get3A_333 = tpu.vector_load %arg7[%get3A_331, %get3A_332] {strides = array<i32>} : memref<32x768xf32, #tpu.memory_space<vmem>>, vector<1x16xf32>,
        %get3A_334 = vector.shape_cast %get3A_333 : vector<1x16xf32> to vector<16xf32>
        %swap3A_335 = arith.index_cast %scan3A_34 : i32 to index
        %swap3A_336 = arith.constant 528 : index
        %swap3A_337 = tpu.vector_load %arg8[%swap3A_335, %swap3A_336] {strides = array<i32>} : memref<32x768xf32, #tpu.memory_space<vmem>>, vector<1x16xf32>,
        %swap3A_338 = vector.shape_cast %swap3A_337 : vector<1x16xf32> to vector<16xf32>
        %swap3A_339 = vector.shape_cast %get3A_334 : vector<16xf32> to vector<1x16xf32>
        tpu.vector_store %arg8[%swap3A_335, %swap3A_336], %swap3A_339 {add = true, strides = array<i32>} : memref<32x768xf32, #tpu.memory_space<vmem>>, vector<1x16xf32>,
        %get3A_340 = arith.index_cast %scan3A_34 : i32 to index
        %get3A_341 = arith.constant 544 : index
        %get3A_342 = tpu.vector_load %arg7[%get3A_340, %get3A_341] {strides = array<i32>} : memref<32x768xf32, #tpu.memory_space<vmem>>, vector<1x16xf32>,
        %get3A_343 = vector.shape_cast %get3A_342 : vector<1x16xf32> to vector<16xf32>
        %swap3A_344 = arith.index_cast %scan3A_34 : i32 to index
        %swap3A_345 = arith.constant 544 : index
        %swap3A_346 = tpu.vector_load %arg8[%swap3A_344, %swap3A_345] {strides = array<i32>} : memref<32x768xf32, #tpu.memory_space<vmem>>, vector<1x16xf32>,
        %swap3A_347 = vector.shape_cast %swap3A_346 : vector<1x16xf32> to vector<16xf32>
        %swap3A_348 = vector.shape_cast %get3A_343 : vector<16xf32> to vector<1x16xf32>
        tpu.vector_store %arg8[%swap3A_344, %swap3A_345], %swap3A_348 {add = true, strides = array<i32>} : memref<32x768xf32, #tpu.memory_space<vmem>>, vector<1x16xf32>,
        %get3A_349 = arith.index_cast %scan3A_34 : i32 to index
        %get3A_350 = arith.constant 560 : index
        %get3A_351 = tpu.vector_load %arg7[%get3A_349, %get3A_350] {strides = array<i32>} : memref<32x768xf32, #tpu.memory_space<vmem>>, vector<1x16xf32>,
        %get3A_352 = vector.shape_cast %get3A_351 : vector<1x16xf32> to vector<16xf32>
        %swap3A_353 = arith.index_cast %scan3A_34 : i32 to index
        %swap3A_354 = arith.constant 560 : index
        %swap3A_355 = tpu.vector_load %arg8[%swap3A_353, %swap3A_354] {strides = array<i32>} : memref<32x768xf32, #tpu.memory_space<vmem>>, vector<1x16xf32>,
        %swap3A_356 = vector.shape_cast %swap3A_355 : vector<1x16xf32> to vector<16xf32>
        %swap3A_357 = vector.shape_cast %get3A_352 : vector<16xf32> to vector<1x16xf32>
        tpu.vector_store %arg8[%swap3A_353, %swap3A_354], %swap3A_357 {add = true, strides = array<i32>} : memref<32x768xf32, #tpu.memory_space<vmem>>, vector<1x16xf32>,
        %get3A_358 = arith.index_cast %scan3A_34 : i32 to index
        %get3A_359 = arith.constant 576 : index
        %get3A_360 = tpu.vector_load %arg7[%get3A_358, %get3A_359] {strides = array<i32>} : memref<32x768xf32, #tpu.memory_space<vmem>>, vector<1x16xf32>,
        %get3A_361 = vector.shape_cast %get3A_360 : vector<1x16xf32> to vector<16xf32>
        %swap3A_362 = arith.index_cast %scan3A_34 : i32 to index
        %swap3A_363 = arith.constant 576 : index
        %swap3A_364 = tpu.vector_load %arg8[%swap3A_362, %swap3A_363] {strides = array<i32>} : memref<32x768xf32, #tpu.memory_space<vmem>>, vector<1x16xf32>,
        %swap3A_365 = vector.shape_cast %swap3A_364 : vector<1x16xf32> to vector<16xf32>
        %swap3A_366 = vector.shape_cast %get3A_361 : vector<16xf32> to vector<1x16xf32>
        tpu.vector_store %arg8[%swap3A_362, %swap3A_363], %swap3A_366 {add = true, strides = array<i32>} : memref<32x768xf32, #tpu.memory_space<vmem>>, vector<1x16xf32>,
        %get3A_367 = arith.index_cast %scan3A_34 : i32 to index
        %get3A_368 = arith.constant 592 : index
        %get3A_369 = tpu.vector_load %arg7[%get3A_367, %get3A_368] {strides = array<i32>} : memref<32x768xf32, #tpu.memory_space<vmem>>, vector<1x16xf32>,
        %get3A_370 = vector.shape_cast %get3A_369 : vector<1x16xf32> to vector<16xf32>
        %swap3A_371 = arith.index_cast %scan3A_34 : i32 to index
        %swap3A_372 = arith.constant 592 : index
        %swap3A_373 = tpu.vector_load %arg8[%swap3A_371, %swap3A_372] {strides = array<i32>} : memref<32x768xf32, #tpu.memory_space<vmem>>, vector<1x16xf32>,
        %swap3A_374 = vector.shape_cast %swap3A_373 : vector<1x16xf32> to vector<16xf32>
        %swap3A_375 = vector.shape_cast %get3A_370 : vector<16xf32> to vector<1x16xf32>
        tpu.vector_store %arg8[%swap3A_371, %swap3A_372], %swap3A_375 {add = true, strides = array<i32>} : memref<32x768xf32, #tpu.memory_space<vmem>>, vector<1x16xf32>,
        %get3A_376 = arith.index_cast %scan3A_34 : i32 to index
        %get3A_377 = arith.constant 608 : index
        %get3A_378 = tpu.vector_load %arg7[%get3A_376, %get3A_377] {strides = array<i32>} : memref<32x768xf32, #tpu.memory_space<vmem>>, vector<1x16xf32>,
        %get3A_379 = vector.shape_cast %get3A_378 : vector<1x16xf32> to vector<16xf32>
        %swap3A_380 = arith.index_cast %scan3A_34 : i32 to index
        %swap3A_381 = arith.constant 608 : index
        %swap3A_382 = tpu.vector_load %arg8[%swap3A_380, %swap3A_381] {strides = array<i32>} : memref<32x768xf32, #tpu.memory_space<vmem>>, vector<1x16xf32>,
        %swap3A_383 = vector.shape_cast %swap3A_382 : vector<1x16xf32> to vector<16xf32>
        %swap3A_384 = vector.shape_cast %get3A_379 : vector<16xf32> to vector<1x16xf32>
        tpu.vector_store %arg8[%swap3A_380, %swap3A_381], %swap3A_384 {add = true, strides = array<i32>} : memref<32x768xf32, #tpu.memory_space<vmem>>, vector<1x16xf32>,
        %get3A_385 = arith.index_cast %scan3A_34 : i32 to index
        %get3A_386 = arith.constant 624 : index
        %get3A_387 = tpu.vector_load %arg7[%get3A_385, %get3A_386] {strides = array<i32>} : memref<32x768xf32, #tpu.memory_space<vmem>>, vector<1x16xf32>,
        %get3A_388 = vector.shape_cast %get3A_387 : vector<1x16xf32> to vector<16xf32>
        %swap3A_389 = arith.index_cast %scan3A_34 : i32 to index
        %swap3A_390 = arith.constant 624 : index
        %swap3A_391 = tpu.vector_load %arg8[%swap3A_389, %swap3A_390] {strides = array<i32>} : memref<32x768xf32, #tpu.memory_space<vmem>>, vector<1x16xf32>,
        %swap3A_392 = vector.shape_cast %swap3A_391 : vector<1x16xf32> to vector<16xf32>
        %swap3A_393 = vector.shape_cast %get3A_388 : vector<16xf32> to vector<1x16xf32>
        tpu.vector_store %arg8[%swap3A_389, %swap3A_390], %swap3A_393 {add = true, strides = array<i32>} : memref<32x768xf32, #tpu.memory_space<vmem>>, vector<1x16xf32>,
        %get3A_394 = arith.index_cast %scan3A_34 : i32 to index
        %get3A_395 = arith.constant 640 : index
        %get3A_396 = tpu.vector_load %arg7[%get3A_394, %get3A_395] {strides = array<i32>} : memref<32x768xf32, #tpu.memory_space<vmem>>, vector<1x16xf32>,
        %get3A_397 = vector.shape_cast %get3A_396 : vector<1x16xf32> to vector<16xf32>
        %swap3A_398 = arith.index_cast %scan3A_34 : i32 to index
        %swap3A_399 = arith.constant 640 : index
        %swap3A_400 = tpu.vector_load %arg8[%swap3A_398, %swap3A_399] {strides = array<i32>} : memref<32x768xf32, #tpu.memory_space<vmem>>, vector<1x16xf32>,
        %swap3A_401 = vector.shape_cast %swap3A_400 : vector<1x16xf32> to vector<16xf32>
        %swap3A_402 = vector.shape_cast %get3A_397 : vector<16xf32> to vector<1x16xf32>
        tpu.vector_store %arg8[%swap3A_398, %swap3A_399], %swap3A_402 {add = true, strides = array<i32>} : memref<32x768xf32, #tpu.memory_space<vmem>>, vector<1x16xf32>,
        %get3A_403 = arith.index_cast %scan3A_34 : i32 to index
        %get3A_404 = arith.constant 656 : index
        %get3A_405 = tpu.vector_load %arg7[%get3A_403, %get3A_404] {strides = array<i32>} : memref<32x768xf32, #tpu.memory_space<vmem>>, vector<1x16xf32>,
        %get3A_406 = vector.shape_cast %get3A_405 : vector<1x16xf32> to vector<16xf32>
        %swap3A_407 = arith.index_cast %scan3A_34 : i32 to index
        %swap3A_408 = arith.constant 656 : index
        %swap3A_409 = tpu.vector_load %arg8[%swap3A_407, %swap3A_408] {strides = array<i32>} : memref<32x768xf32, #tpu.memory_space<vmem>>, vector<1x16xf32>,
        %swap3A_410 = vector.shape_cast %swap3A_409 : vector<1x16xf32> to vector<16xf32>
        %swap3A_411 = vector.shape_cast %get3A_406 : vector<16xf32> to vector<1x16xf32>
        tpu.vector_store %arg8[%swap3A_407, %swap3A_408], %swap3A_411 {add = true, strides = array<i32>} : memref<32x768xf32, #tpu.memory_space<vmem>>, vector<1x16xf32>,
        %get3A_412 = arith.index_cast %scan3A_34 : i32 to index
        %get3A_413 = arith.constant 672 : index
        %get3A_414 = tpu.vector_load %arg7[%get3A_412, %get3A_413] {strides = array<i32>} : memref<32x768xf32, #tpu.memory_space<vmem>>, vector<1x16xf32>,
        %get3A_415 = vector.shape_cast %get3A_414 : vector<1x16xf32> to vector<16xf32>
        %swap3A_416 = arith.index_cast %scan3A_34 : i32 to index
        %swap3A_417 = arith.constant 672 : index
        %swap3A_418 = tpu.vector_load %arg8[%swap3A_416, %swap3A_417] {strides = array<i32>} : memref<32x768xf32, #tpu.memory_space<vmem>>, vector<1x16xf32>,
        %swap3A_419 = vector.shape_cast %swap3A_418 : vector<1x16xf32> to vector<16xf32>
        %swap3A_420 = vector.shape_cast %get3A_415 : vector<16xf32> to vector<1x16xf32>
        tpu.vector_store %arg8[%swap3A_416, %swap3A_417], %swap3A_420 {add = true, strides = array<i32>} : memref<32x768xf32, #tpu.memory_space<vmem>>, vector<1x16xf32>,
        %get3A_421 = arith.index_cast %scan3A_34 : i32 to index
        %get3A_422 = arith.constant 688 : index
        %get3A_423 = tpu.vector_load %arg7[%get3A_421, %get3A_422] {strides = array<i32>} : memref<32x768xf32, #tpu.memory_space<vmem>>, vector<1x16xf32>,
        %get3A_424 = vector.shape_cast %get3A_423 : vector<1x16xf32> to vector<16xf32>
        %swap3A_425 = arith.index_cast %scan3A_34 : i32 to index
        %swap3A_426 = arith.constant 688 : index
        %swap3A_427 = tpu.vector_load %arg8[%swap3A_425, %swap3A_426] {strides = array<i32>} : memref<32x768xf32, #tpu.memory_space<vmem>>, vector<1x16xf32>,
        %swap3A_428 = vector.shape_cast %swap3A_427 : vector<1x16xf32> to vector<16xf32>
        %swap3A_429 = vector.shape_cast %get3A_424 : vector<16xf32> to vector<1x16xf32>
        tpu.vector_store %arg8[%swap3A_425, %swap3A_426], %swap3A_429 {add = true, strides = array<i32>} : memref<32x768xf32, #tpu.memory_space<vmem>>, vector<1x16xf32>,
        %get3A_430 = arith.index_cast %scan3A_34 : i32 to index
        %get3A_431 = arith.constant 704 : index
        %get3A_432 = tpu.vector_load %arg7[%get3A_430, %get3A_431] {strides = array<i32>} : memref<32x768xf32, #tpu.memory_space<vmem>>, vector<1x16xf32>,
        %get3A_433 = vector.shape_cast %get3A_432 : vector<1x16xf32> to vector<16xf32>
        %swap3A_434 = arith.index_cast %scan3A_34 : i32 to index
        %swap3A_435 = arith.constant 704 : index
        %swap3A_436 = tpu.vector_load %arg8[%swap3A_434, %swap3A_435] {strides = array<i32>} : memref<32x768xf32, #tpu.memory_space<vmem>>, vector<1x16xf32>,
        %swap3A_437 = vector.shape_cast %swap3A_436 : vector<1x16xf32> to vector<16xf32>
        %swap3A_438 = vector.shape_cast %get3A_433 : vector<16xf32> to vector<1x16xf32>
        tpu.vector_store %arg8[%swap3A_434, %swap3A_435], %swap3A_438 {add = true, strides = array<i32>} : memref<32x768xf32, #tpu.memory_space<vmem>>, vector<1x16xf32>,
        %get3A_439 = arith.index_cast %scan3A_34 : i32 to index
        %get3A_440 = arith.constant 720 : index
        %get3A_441 = tpu.vector_load %arg7[%get3A_439, %get3A_440] {strides = array<i32>} : memref<32x768xf32, #tpu.memory_space<vmem>>, vector<1x16xf32>,
        %get3A_442 = vector.shape_cast %get3A_441 : vector<1x16xf32> to vector<16xf32>
        %swap3A_443 = arith.index_cast %scan3A_34 : i32 to index
        %swap3A_444 = arith.constant 720 : index
        %swap3A_445 = tpu.vector_load %arg8[%swap3A_443, %swap3A_444] {strides = array<i32>} : memref<32x768xf32, #tpu.memory_space<vmem>>, vector<1x16xf32>,
        %swap3A_446 = vector.shape_cast %swap3A_445 : vector<1x16xf32> to vector<16xf32>
        %swap3A_447 = vector.shape_cast %get3A_442 : vector<16xf32> to vector<1x16xf32>
        tpu.vector_store %arg8[%swap3A_443, %swap3A_444], %swap3A_447 {add = true, strides = array<i32>} : memref<32x768xf32, #tpu.memory_space<vmem>>, vector<1x16xf32>,
        %get3A_448 = arith.index_cast %scan3A_34 : i32 to index
        %get3A_449 = arith.constant 736 : index
        %get3A_450 = tpu.vector_load %arg7[%get3A_448, %get3A_449] {strides = array<i32>} : memref<32x768xf32, #tpu.memory_space<vmem>>, vector<1x16xf32>,
        %get3A_451 = vector.shape_cast %get3A_450 : vector<1x16xf32> to vector<16xf32>
        %swap3A_452 = arith.index_cast %scan3A_34 : i32 to index
        %swap3A_453 = arith.constant 736 : index
        %swap3A_454 = tpu.vector_load %arg8[%swap3A_452, %swap3A_453] {strides = array<i32>} : memref<32x768xf32, #tpu.memory_space<vmem>>, vector<1x16xf32>,
        %swap3A_455 = vector.shape_cast %swap3A_454 : vector<1x16xf32> to vector<16xf32>
        %swap3A_456 = vector.shape_cast %get3A_451 : vector<16xf32> to vector<1x16xf32>
        tpu.vector_store %arg8[%swap3A_452, %swap3A_453], %swap3A_456 {add = true, strides = array<i32>} : memref<32x768xf32, #tpu.memory_space<vmem>>, vector<1x16xf32>,
        %get3A_457 = arith.index_cast %scan3A_34 : i32 to index
        %get3A_458 = arith.constant 752 : index
        %get3A_459 = tpu.vector_load %arg7[%get3A_457, %get3A_458] {strides = array<i32>} : memref<32x768xf32, #tpu.memory_space<vmem>>, vector<1x16xf32>,
        %get3A_460 = vector.shape_cast %get3A_459 : vector<1x16xf32> to vector<16xf32>
        %swap3A_461 = arith.index_cast %scan3A_34 : i32 to index
        %swap3A_462 = arith.constant 752 : index
        %swap3A_463 = tpu.vector_load %arg8[%swap3A_461, %swap3A_462] {strides = array<i32>} : memref<32x768xf32, #tpu.memory_space<vmem>>, vector<1x16xf32>,
        %swap3A_464 = vector.shape_cast %swap3A_463 : vector<1x16xf32> to vector<16xf32>
        %swap3A_465 = vector.shape_cast %get3A_460 : vector<16xf32> to vector<1x16xf32>
        tpu.vector_store %arg8[%swap3A_461, %swap3A_462], %swap3A_465 {add = true, strides = array<i32>} : memref<32x768xf32, #tpu.memory_space<vmem>>, vector<1x16xf32>,
        %scan3A_466 = arith.constant 0 : i32
        scf.yield %scan3A_466 : i32
      }
      %scan3A_29 = arith.constant 32 : i32
      %mul3A_30 = arith.constant 32 : i32
      %mul3A_31 = arith.muli %scan3A_10, %mul3A_30 : i32
      %add3A_32 = arith.addi %mul3A_2, %mul3A_31 : i32
      "tpu.region"() ({
        %run_scoped3A = tpu.sem_alloc : memref<!tpu.dma_semaphore, #tpu.memory_space<semaphore_mem>>
        %dma_start3A_34 = arith.constant 0 : i32
        %dma_start3A_35 = tpu.memref_slice %arg5[%add3A_32, %dma_start3A_34] : memref<8192x768xf32, #tpu.memory_space<hbm>> -> memref<32x768xf32, #tpu.memory_space<hbm>>
        %dma_start3A_36 = arith.constant 0 : i32
        %dma_start3A_37 = tpu.memref_slice %arg5[%add3A_32, %dma_start3A_36] : memref<8192x768xf32, #tpu.memory_space<hbm>> -> memref<32x768xf32, #tpu.memory_space<hbm>>
        tpu.enqueue_dma source(%arg8 : memref<32x768xf32, #tpu.memory_space<vmem>>) target(%dma_start3A_37 : memref<32x768xf32, #tpu.memory_space<hbm>>) target_semaphore(%run_scoped3A : memref<!tpu.dma_semaphore, #tpu.memory_space<semaphore_mem>>)
        %dma_wait3A_38 = arith.constant 0 : i32
        %dma_wait3A_39 = tpu.memref_slice %arg5[%add3A_32, %dma_wait3A_38] : memref<8192x768xf32, #tpu.memory_space<hbm>> -> memref<32x768xf32, #tpu.memory_space<hbm>>
        %dma_wait3A_40 = arith.constant 0 : i32
        %dma_wait3A_41 = tpu.memref_slice %arg5[%add3A_32, %dma_wait3A_40] : memref<8192x768xf32, #tpu.memory_space<hbm>> -> memref<32x768xf32, #tpu.memory_space<hbm>>
        tpu.wait_dma2 semaphore(%run_scoped3A : memref<!tpu.dma_semaphore, #tpu.memory_space<semaphore_mem>>) src(%arg8 : memref<32x768xf32, #tpu.memory_space<vmem>>) dst(%dma_wait3A_41 : memref<32x768xf32, #tpu.memory_space<hbm>>)
        tpu.yield
      }) : () -> ()
      %scan3A_33 = arith.constant 0 : i32
      scf.yield %scan3A_33 : i32
    }
    %scan3A_9 = arith.constant 8 : i32
    return
  }
}

</mosaic_0001>

<sc_bundles>
// kernel: kernel.3.cloned.1.call-start
scs
__scs_entry_jumppad:
0x0: {  	(pc) =	sbr.rel $0x88, $3  }
0x1: {  	(tag) =	ssettag $0x0;
	lr =	simm.s32 $0x1  }
0x2: {  	[smem:$0x3F9E] =	sst lr;
	_ =	strace $0xD0000000  }
0x3: {  	_ = 	snop  }
0x4: {  	_ = 	snop  }
0x5: {  	_ = 	snop  }
0x6: {  	_ = 	snop  }
0x7: {  	_ = 	snop  }
__scs_overlays_trampoline_lowered:
0x8: {  	[smem:$0x3FAD] =	sst s0  }
0x9: {  	[smem:$0x3FAE] =	sst s1  }
0xa: {  	[smem:$0x3FAF] =	sst s2  }
0xb: {  	[smem:$0x3FB0] =	sst s3  }
0xc: {  	[smem:$0x3FB1] =	sst s4  }
0xd: {  	[smem:$0x3FB2] =	sst s5  }
0xe: {  	[smem:$0x3FB3] =	sst s6  }
0xf: {  	[smem:$0x3FB4] =	sst s7  }
0x10: {  	[smem:$0x3FB5] =	sst s8  }
0x11: {  	[smem:$0x3FB6] =	sst s9;
	s0 =	simm.s32 @!p0 $0x0  }
0x12: {  	s1 =	sld [smem:$0x3F9C];
	s0 =	simm.s32 @p0 $0x1  }
0x13: {  	[smem:$0x3FB7] =	sst s0;
	s0 =	simm.s32 @!p1 $0x0  }
0x14: {  	s2 =	sld [smem:$0x3F9B];
	s0 =	simm.s32 @p1 $0x1  }
0x15: {  	[smem:$0x3FB8] =	sst s0;
	s0 =	simm.s32 @!p2 $0x0  }
0x16: {  	s3 =	sld [smem:$0x3FDB];
	s0 =	simm.s32 @p2 $0x1  }
0x17: {  	s4 =	simm.s32 $0x1BF5;
	[smem:$0x3FBA] =	sst s0  }
0x18: {  	s0 =	sld [smem:$0x3F9D];
	_ =	swait.ge [sflag:s4], $0x0  }
0x19: {  	s7 =	sld [smem:$0x3F9E]  }
0x1a: {  	s8 =	sadd.s32 $0xFFFFE003, lr  }
0x1b: {  	s9 =	sadd.s32 $0xFFFFFEF7, lr;
	s5 =	simm.s32 $0xFFFFFFFF;
	p2 =	slt.u32 s8, $0xFFFFF086  }
0x1c: {  	p1 =	slt.u32 s9, $0xF7A;
	s5 =	simm.s32 @!p2 $0x0  }
0x1d: {  	s5 =	simm.s32 @p1 $0x1;
	p0 =	seq.s32 s7, s2  }
0x1e: {  	s7 =	smul.u32 @!p0 $0xF7A, s2;
	p2 =	seq.s32 @!p0 s5, $0x0  }
0x1f: {  	s9 =	smul.u32 $0xF7A, s1;
	s8 =	simm.s32 @!p0 $0x1BF5;
	p2 =	por !p2, p0  }
0x20: {  	[sflag:s8] =	ssyncset.s32 @!p0 $0xFFFFF086;
	s6 =	sadd.s32 @!p0 s3, s7;
	s7 =	simm.s32 @!p0 $0x108  }
0x21: {  	s3 =	sadd.s32 s3, s9;
	s6 =	sadd.s32 @!p0 $0x88, s6;
	s7 =	simm.s32 @p2 $0x1082  }
0x22: {  	[simem:s7], [sflag:s8] =	dma.local @!p0 [hbm:s6], $0xF7A  }
0x23: {  	s9 =	sor.u32 $0xD0000000, s2;
	s6 =	simm.s32 $0x108;
	_ =	swait.ge @!p0 [sflag:s8], $0x0  }
0x24: {  	s3 =	sadd.s32 $0x88, s3;
	s6 =	simm.s32 @!p1 $0x1082;
	[sflag:s4] =	ssyncset.s32 $0xFFFFF086  }
0x25: {  	[simem:s6], [sflag:s4] =	dma.local [hbm:s3], $0xF7A  }
0x26: {  	[smem:$0x3F9E] =	sst s1;
	(tag) =	ssettag s2;
	_ =	strace s9  }
0x27: {  	s1 =	sld [smem:$0x3FAE]  }
0x28: {  	s2 =	sld [smem:$0x3FAF]  }
0x29: {  	s4 =	sld [smem:$0x3FB1]  }
0x2a: {  	p0 =	seq.s32 s5, $0x0;
	s5 =	sld [smem:$0x3FB2]  }
0x2b: {  	s6 =	sld [smem:$0x3FB3]  }
0x2c: {  	s7 =	sld [smem:$0x3FB4]  }
0x2d: {  	s3 =	simm.s32 $0x108;
	s8 =	sld [smem:$0x3FB5]  }
0x2e: {  	s3 =	simm.s32 @!p0 $0x1082;
	s9 =	sld [smem:$0x3FB6]  }
0x2f: {  	lr =	sadd.s32 s0, s3;
	s0 =	sld [smem:$0x3FAD]  }
0x30: {  	s3 =	sld [smem:$0x3FB0]  }
0x31: {  	[smem:$0x3FB9] =	sst s10  }
0x32: {  	s10 =	sld [smem:$0x3FB7];
	_ =	sdelay $0x3  }
0x33: {  	p0 =	seq.s32 s10, $0x1;
	s10 =	sld [smem:$0x3FB9];
	_ =	sdelay $0x3  }
0x34: {  	[smem:$0x3FB9] =	sst s10  }
0x35: {  	s10 =	sld [smem:$0x3FB8];
	_ =	sdelay $0x3  }
0x36: {  	p1 =	seq.s32 s10, $0x1;
	s10 =	sld [smem:$0x3FB9];
	_ =	sdelay $0x3  }
0x37: {  	[smem:$0x3FB9] =	sst s10  }
0x38: {  	s10 =	sld [smem:$0x3FBA]  }
0x39: {  	_ = 	snop;
	(pc) =	sbr.ind lr, $3  }
0x3a: {  	_ = 	snop  }
0x3b: {  	_ = 	snop  }
0x3c: {  	p2 =	seq.s32 s10, $0x1;
	s10 =	sld [smem:$0x3FB9]  }
0x3d: {  	_ =	shalt  }
0x3e: {  	_ =	shalt  }
0x3f: {  	_ =	shalt  }
0x40: {  	_ =	shalt  }
0x41: {  	_ =	shalt  }
0x42: {  	_ =	shalt  }
0x43: {  	_ =	shalt  }
0x44: {  	_ =	shalt  }
0x45: {  	_ =	shalt  }
0x46: {  	_ =	shalt  }
0x47: {  	_ =	shalt  }
0x48: {  	_ =	shalt  }
0x49: {  	_ =	shalt  }
0x4a: {  	_ =	shalt  }
0x4b: {  	_ =	shalt  }
0x4c: {  	_ =	shalt  }
0x4d: {  	_ =	shalt  }
0x4e: {  	_ =	shalt  }
0x4f: {  	_ =	shalt  }
0x50: {  	_ =	shalt  }
0x51: {  	_ =	shalt  }
0x52: {  	_ =	shalt  }
0x53: {  	_ =	shalt  }
0x54: {  	_ =	shalt  }
0x55: {  	_ =	shalt  }
0x56: {  	_ =	shalt  }
0x57: {  	_ =	shalt  }
0x58: {  	_ =	shalt  }
0x59: {  	_ =	shalt  }
0x5a: {  	_ =	shalt  }
0x5b: {  	_ =	shalt  }
0x5c: {  	_ =	shalt  }
0x5d: {  	_ =	shalt  }
0x5e: {  	_ =	shalt  }
0x5f: {  	_ =	shalt  }
0x60: {  	_ =	shalt  }
0x61: {  	_ =	shalt  }
0x62: {  	_ =	shalt  }
0x63: {  	_ =	shalt  }
0x64: {  	_ =	shalt  }
0x65: {  	_ =	shalt  }
0x66: {  	_ =	shalt  }
0x67: {  	_ =	shalt  }
0x68: {  	_ =	shalt  }
0x69: {  	_ =	shalt  }
0x6a: {  	_ =	shalt  }
0x6b: {  	_ =	shalt  }
0x6c: {  	_ =	shalt  }
0x6d: {  	_ =	shalt  }
0x6e: {  	_ =	shalt  }
0x6f: {  	_ =	shalt  }
0x70: {  	_ =	shalt  }
0x71: {  	_ =	shalt  }
0x72: {  	_ =	shalt  }
0x73: {  	_ =	shalt  }
0x74: {  	_ =	shalt  }
0x75: {  	_ =	shalt  }
0x76: {  	_ =	shalt  }
0x77: {  	_ =	shalt  }
0x78: {  	_ =	shalt  }
0x79: {  	_ =	shalt  }
0x7a: {  	_ =	shalt  }
0x7b: {  	_ =	shalt  }
0x7c: {  	_ =	shalt  }
0x7d: {  	_ =	shalt  }
0x7e: {  	_ =	shalt  }
0x7f: {  	_ =	shalt  }
0x80: {  	_ =	shalt  }
0x81: {  	_ =	shalt  }
0x82: {  	_ =	shalt  }
0x83: {  	_ =	shalt  }
0x84: {  	_ =	shalt  }
0x85: {  	_ =	shalt  }
0x86: {  	_ =	shalt  }
0x87: {  	_ =	shalt  }
.Lfunc_end0:
.L_simem_size_0:
called_computation_lowered:
.L_overlay_start_0:
0x88: {  	s2 =	sld [smem:$0x3FD9]  }
0x89: {  	s3 =	sld [smem:$0x3FFE];
	_ =	sdelay $0x1  }
0x8a: {  	s1 =	srdreg.scid  }
0x8b: {  	s0 =	sand.u32 $0x1, s1  }
0x8c: {  	s17 =	sshll.u32 s0, $0xA;
	s2 =	sadd.s32 s3, s2  }
0x8d: {  	s2 =	sadd.s32 s2, s17  }
0x8e: {  	[smem:$0x3FC5] =	sst s2  }
0x8f: {  	_ = 	snop  }
0x90: {  	s2 =	sld [smem:$0x3FC8]  }
0x91: {  	s18 =	sld [smem:$0x3FC7]  }
0x92: {  	s4 =	sld [smem:$0x3FD0];
	(tm) =	ssettm $0x1  }
0x93: {  	s5 =	sld [smem:$0x3FFB];
	_ =	sdelay $0x3  }
0x94: {  	_ =	strace s5  }
0x95: {  	s5 =	sld [smem:$0x3FFC];
	_ =	sdelay $0x3  }
0x96: {  	_ =	strace s5  }
0x97: {  	s5 =	sld [smem:$0x3FFD];
	_ =	sdelay $0x3  }
0x98: {  	_ =	strace s5  }
0x99: {  	_ =	strace $0x8FFFFFFF  }
0x9a: {  	s19 =	sld [smem:$0x3FDB];
	_ =	sdelay $0x1  }
0x9b: {  	s6 =	simm.s32 $_scs_section_size  }
0x9c: {  	s7 =	simm.s32 $_size__tile_overlayer_lowered;
	s8 =	simm.s32 $_tile_overlayer_lowered  }
0x9d: {  	s22 =	simm.s32 $0x1BFF;
	s21 =	sshll.u32 s8, $0x1;
	s5 =	sadd.s32 s6, s19  }
0x9e: {  	s9 =	simm.s32 $0x0;
	s20 =	sshll.u32 s7, $0x1;
	s7 =	sadd.s32 s21, s5  }
0x9f: {  	[timem:s9], [sflag:s22] =	dma.local [hbm:s7], s20  }
0xa0: {  	_ =	swait.ge [sflag:s22], s20  }
0xa1: {  	s6 =	ssub.s32 $0x0, s20;
	[sflag:s22] =	ssyncset.done $0x0  }
0xa2: {  	[sflag:s22] =	ssyncadd.s32 s6;
	_ =	sdelay $0x1  }
0xa3: {  	s23 =	simm.s32 $0x1B8B  }
0xa4: {  	_ =	swait.ge [sflag:s23], $0x1  }
0xa5: {  	[sflag:s23] =	ssyncset.done $0x0  }
0xa6: {  	s25 =	simm.s32 $0x1B8E;
	s24 =	sld [smem:$0x3FFE];
	[sflag:s23] =	ssyncadd.s32 $0xFFFFFFFF  }
0xa7: {  	s26 =	simm.s32 $execute0_lowered;
	[smem:$0x3FD2] =	sst s25  }
0xa8: {  	s7 =	sshll.u32 s26, $0x1;
	_ =	strace $0x80000046;
	[dreg:$0x1] =	wrdreg $0xFFFFFFFF  }
0xa9: {  	s28 =	simm.s32 $_size_execute0_lowered;
	s5 =	sadd.s32 s5, s7;
	[dreg:$0x0] =	wrdreg $0x0  }
0xaa: {  	s7 =	sshll.u32 s28, $0x1;
	[dreg:$0x2] =	wrdreg s5  }
0xab: {  	[dreg:$0x3] =	wrdreg s7  }
0xac: {  	[dreg:$0x4] =	wrdreg $0xC0  }
0xad: {  	_ =	task [dreg:s9], $0x5FFFF  }
0xae: {  	[dreg:$0x1] =	wrdreg $0xFFFFFFFF  }
0xaf: {  	[dreg:$0x0] =	wrdreg $0x60  }
0xb0: {  	[dreg:$0x2] =	wrdreg s24  }
0xb1: {  	[dreg:$0x3] =	wrdreg s2  }
0xb2: {  	[dreg:$0x4] =	wrdreg s18  }
0xb3: {  	[dreg:$0x5] =	wrdreg s4  }
0xb4: {  	[dreg:$0x6] =	wrdreg $0x9  }
0xb5: {  	_ =	task.clear_ibuf [dreg:s9], $0x7FFFF;
	_ =	strace $0x90000046  }
0xb6: {  	s29 =	simm.s32 $0x9;
	_ =	strace $0x80000048  }
0xb7: {  	_ =	swait.ge [sflag:s29], $0x1  }
0xb8: {  	[sflag:s29] =	ssyncadd.s32 $0xFFFFFFFF  }
0xb9: {  	_ =	strace $0x90000048  }
0xba: {  	_ =	sfence  }
0xbb: {  	s30 =	sld [smem:$0x0];
	_ =	sdelay $0x2  }
0xbc: {  	s31 =	sshll.u32 s1, $0xD;
	s1 =	sshrl.u32 s1, $0x2  }
0xbd: {  	s3 =	sand.u32 $0x4000, s31;
	s1 =	sadd.s32 s1, s30  }
0xbe: {  	s0 =	sor.u32 s3, s0;
	s1 =	sshll.u32 s1, $0x11  }
0xbf: {  	s0 =	sor.u32 s1, s0  }
0xc0: {  	s0 =	sadd.s32 $0x8F2B, s0  }
0xc1: {  	[sflag:s0] =	ssyncadd.remote.s32 $0x1  }
0xc2: {  	_ =	sfence.sel $0xFFFF  }
0xc3: {  	[dreg:$0x0] =	wrdreg $0xFFFFFFFF;
	(pc) =	sbr.abs _section_cstart, $3  }
0xc4: {  	[dreg:$0x1] =	wrdreg $0xFFFFFFFF  }
0xc5: {  	_ =	task.clear_ibuf [dreg:s9], $0x2FFFF;
	_ =	strace $0x9FFFFFFF  }
0xc6: {  	(tm) =	ssettm $0x7FFFFFFF  }
0xc7: {  	_ =	shalt  }
tec
execute0_lowered:
.L_overlay_start_1:
0x0: {  	(tag) =	ssettag $0x1  }
0x1: {  	s0 =	rddreg [dreg:$0x0]  }
0x2: {  	s2 =	rddreg [dreg:$0x1]  }
0x3: {  	s3 =	rddreg [dreg:$0x2]  }
0x4: {  	s1 =	srdreg.scid;
	s4 =	rddreg [dreg:$0x3]  }
0x5: {  	s5 =	stileid.u32;
	s12 =	simm.s32 $0x2;
	s13 =	simm.s32 $0x100  }
0x6: {  	s14 =	simm.s32 $0x900;
	s15 =	simm.s32 $0x1100;
	s16 =	simm.s32 $0x1900  }
0x7: {  	s17 =	simm.s32 $0x2100;
	s18 =	simm.s32 $0x2900;
	s19 =	simm.s32 $0x3100  }
0x8: {  	s20 =	simm.s32 $0x3900;
	s21 =	simm.s32 $0x4100;
	s22 =	simm.s32 $0x4900  }
0x9: {  	s23 =	simm.s32 $0x5100;
	s24 =	simm.s32 $0x5900;
	s25 =	simm.s32 $0x6100  }
0xa: {  	s26 =	simm.s32 $0x1;
	s28 =	simm.s32 $0x0;
	s1 =	sand.u32 $0x1, s1  }
0xb: {  	s6 =	sshll.u32 s5, $0x9;
	s7 =	sshll.u32 s1, $0x8;
	s1 =	ssub.s32 $0x2, s1  }
0xc: {  	s5 =	simm.s32 $0x0;
	s6 =	sor.u32 s7, s6;
	s8 =	sshrl.u32 s1, $0x1  }
0xd: {  	s9 =	sadd.s32 $0x100, s2;
	s7 =	sshrl.u32 s6, $0x3;
	s1 =	ssub.s32 s1, s8  }
0xe: {  	v2 =	vlaneseq.u32;
	[smem:$0x7FF] =	sst s5;
	s0 =	sadd.s32 s7, s0;
	s31 =	smax.u32 s1, $0x1  }
0xf: {  	vm0 =	vmmov $0xffff;
	v1 =	vshrl.u32 v2, $0x3;
	_ =	strace $0x80000047;
	s0 =	sadd.s32 $0x400, s0;
	[dreg:$0x6] =	wrdreg s31  }
0x10: {  	s10 =	sadd.s32 $0x200, s2;
	v0 =	vand.u32 $0x7, v2;
	v2 =	vor.u32 $0x8, v2;
	v1 =	vmul.u32 $0x8, v1;
	s7 =	sand.u32 $0x700, s6;
	[dreg:$0x5] =	wrdreg s0  }
.LBB2_1:
0x11: {  	s0 =	rddreg [dreg:$0x5]  }
0x12: {  	[tilespmem:s5], [sflag:$0x2] =	stream.linear.gather [hbm4b:s0+s5], $0x100, $0x38;
	[tilespmem:$0xC100] =	vst v63  }
0x13: {  	_ =	swait.ge [sflag:s12], $0x100  }
0x14: {  	[sflag:s12] =	ssyncset.done $0x0  }
0x15: {  	s29 =	simm.s32 $0x0;
	[sflag:s12] =	ssyncadd.s32 $0xFFFFFF00  }
.LBB2_2:
0x16: {  	s30 =	sshll.u32 s29, $0x5  }
0x17: {  	v3 =	vld [tilespmem:s30+$0x0];
	_ =	sdelay $0x4  }
0x18: {  	v4 =	vshrl.u32 v3, $0x3  }
0x19: {  	v4 =	vmul.u32 $0x30, v4  }
0x1a: {  	v3 =	vand.u32 $0x7, v3  }
0x1b: {  	v3 =	vor.u32 v3, v4  }
0x1c: {  	v4 =	vperm.xlane v3, v0;
	_ =	sdelay $0x1  }
0x1d: {  	v4 =	vadd.s32 v1, v4;
	_ =	sdelay $0x3  }
0x1e: {  	s31 =	simm.s32 $0x0;
	v3 =	vperm.xlane v3, v2  }
0x1f: {  	[tilespmem:s13], [sflag:$0x1] =	stream.indirect_vreg.gather [hbm4b:s2+s31], $0x80, v4, vm0, $0xb8;
	[tilespmem:$0xC100] =	vst v63  }
0x20: {  	v3 =	vadd.s32 v1, v3  }
0x21: {  	[tilespmem:s14], [sflag:$0x1] =	stream.indirect_vreg.gather [hbm4b:s9+s31], $0x80, v4, vm0, $0xb8;
	[tilespmem:$0xC100] =	vst v63  }
0x22: {  	_ = 	snop  }
0x23: {  	[tilespmem:s15], [sflag:$0x1] =	stream.indirect_vreg.gather [hbm4b:s10+s31], $0x80, v4, vm0, $0xb8;
	[tilespmem:$0xC100] =	vst v63  }
0x24: {  	_ = 	snop  }
0x25: {  	[tilespmem:s16], [sflag:$0x1] =	stream.indirect_vreg.gather [hbm4b:s2+s31], $0x80, v3, vm0, $0xb8;
	[tilespmem:$0xC100] =	vst v63  }
0x26: {  	_ = 	snop  }
0x27: {  	[tilespmem:s17], [sflag:$0x1] =	stream.indirect_vreg.gather [hbm4b:s9+s31], $0x80, v3, vm0, $0xb8;
	[tilespmem:$0xC100] =	vst v63  }
0x28: {  	_ = 	snop  }
0x29: {  	[tilespmem:s18], [sflag:$0x1] =	stream.indirect_vreg.gather [hbm4b:s10+s31], $0x80, v3, vm0, $0xb8;
	[tilespmem:$0xC100] =	vst v63  }
0x2a: {  	v3 =	vld [tilespmem:s30+$0x10];
	_ =	sdelay $0x4  }
0x2b: {  	v4 =	vshrl.u32 v3, $0x3  }
0x2c: {  	v4 =	vmul.u32 $0x30, v4  }
0x2d: {  	v3 =	vand.u32 $0x7, v3  }
0x2e: {  	v3 =	vor.u32 v3, v4  }
0x2f: {  	v4 =	vperm.xlane v3, v0;
	_ =	sdelay $0x1  }
0x30: {  	v4 =	vadd.s32 v1, v4;
	_ =	sdelay $0x3  }
0x31: {  	v3 =	vperm.xlane v3, v2  }
0x32: {  	[tilespmem:s19], [sflag:$0x1] =	stream.indirect_vreg.gather [hbm4b:s2+s31], $0x80, v4, vm0, $0xb8;
	[tilespmem:$0xC100] =	vst v63  }
0x33: {  	v3 =	vadd.s32 v1, v3  }
0x34: {  	[tilespmem:s20], [sflag:$0x1] =	stream.indirect_vreg.gather [hbm4b:s9+s31], $0x80, v4, vm0, $0xb8;
	[tilespmem:$0xC100] =	vst v63  }
0x35: {  	_ = 	snop  }
0x36: {  	[tilespmem:s21], [sflag:$0x1] =	stream.indirect_vreg.gather [hbm4b:s10+s31], $0x80, v4, vm0, $0xb8;
	[tilespmem:$0xC100] =	vst v63  }
0x37: {  	s0 =	sor.u32 s7, s30  }
0x38: {  	[tilespmem:s22], [sflag:$0x1] =	stream.indirect_vreg.gather [hbm4b:s2+s31], $0x80, v3, vm0, $0xb8;
	[tilespmem:$0xC100] =	vst v63  }
0x39: {  	s0 =	sshrl.u32 s0, $0x3  }
0x3a: {  	[tilespmem:s23], [sflag:$0x1] =	stream.indirect_vreg.gather [hbm4b:s9+s31], $0x80, v3, vm0, $0xb8;
	[tilespmem:$0xC100] =	vst v63  }
0x3b: {  	s0 =	smul.u32 $0x300, s0  }
0x3c: {  	[tilespmem:s24], [sflag:$0x1] =	stream.indirect_vreg.gather [hbm4b:s10+s31], $0x80, v3, vm0, $0xb8;
	[tilespmem:$0xC100] =	vst v63  }
0x3d: {  	s0 =	sadd.s32 s3, s0  }
0x3e: {  	[tilespmem:s25], [sflag:$0x2] =	stream.linear.gather [hbm4b:s0+s31], $0x6000, $0x38;
	[tilespmem:$0xC100] =	vst v63  }
0x3f: {  	_ =	swait.ge [sflag:s12], $0x6000  }
0x40: {  	[sflag:s12] =	ssyncset.done $0x0  }
0x41: {  	s11 =	simm.s32 $0x0;
	[sflag:s12] =	ssyncadd.s32 $0xFFFFA000  }
0x42: {  	s0 =	smul.u32 $0x1800, s11;
	_ =	swait.ge [sflag:s26], $0x6000  }
0x43: {  	s1 =	sand.u32 $0x380, s31;
	[sflag:s26] =	ssyncset.done $0x0  }
0x44: {  	s0 =	sor.u32 s1, s0;
	[sflag:s26] =	ssyncadd.s32 $0xFFFFA000  }
0x45: {  	v3 =	vld [tilespmem:s0+$0x1570]  }
0x46: {  	v6 =	vld [tilespmem:s0+$0x100]  }
0x47: {  	v7 =	vld [tilespmem:s0+$0x110]  }
0x48: {  	v8 =	vld [tilespmem:s0+$0x120]  }
0x49: {  	v9 =	vld [tilespmem:s0+$0x130]  }
0x4a: {  	v10 =	vld [tilespmem:s0+$0x140]  }
0x4b: {  	v11 =	vld [tilespmem:s0+$0x150]  }
0x4c: {  	v12 =	vld [tilespmem:s0+$0x160]  }
0x4d: {  	v13 =	vld [tilespmem:s0+$0x170]  }
0x4e: {  	v14 =	vld [tilespmem:s0+$0x500]  }
0x4f: {  	v15 =	vld [tilespmem:s0+$0x510]  }
0x50: {  	v16 =	vld [tilespmem:s0+$0x520]  }
0x51: {  	v17 =	vld [tilespmem:s0+$0x530]  }
0x52: {  	v18 =	vld [tilespmem:s0+$0x540]  }
0x53: {  	v19 =	vld [tilespmem:s0+$0x550]  }
0x54: {  	v20 =	vld [tilespmem:s0+$0x560]  }
0x55: {  	v21 =	vld [tilespmem:s0+$0x570]  }
0x56: {  	v22 =	vld [tilespmem:s0+$0x900]  }
0x57: {  	v23 =	vld [tilespmem:s0+$0x910]  }
0x58: {  	v24 =	vld [tilespmem:s0+$0x920]  }
0x59: {  	v25 =	vld [tilespmem:s0+$0x930]  }
0x5a: {  	v26 =	vld [tilespmem:s0+$0x940]  }
0x5b: {  	v27 =	vld [tilespmem:s0+$0x950]  }
0x5c: {  	v28 =	vld [tilespmem:s0+$0x960]  }
0x5d: {  	v29 =	vld [tilespmem:s0+$0x970]  }
0x5e: {  	v30 =	vld [tilespmem:s0+$0xD00]  }
0x5f: {  	v31 =	vld [tilespmem:s0+$0xD10]  }
0x60: {  	v32 =	vld [tilespmem:s0+$0xD20]  }
0x61: {  	v33 =	vld [tilespmem:s0+$0xD30]  }
0x62: {  	v34 =	vld [tilespmem:s0+$0xD40]  }
0x63: {  	v35 =	vld [tilespmem:s0+$0xD50]  }
0x64: {  	v36 =	vld [tilespmem:s0+$0xD60]  }
0x65: {  	v37 =	vld [tilespmem:s0+$0xD70]  }
0x66: {  	v38 =	vld [tilespmem:s0+$0x1100]  }
0x67: {  	v39 =	vld [tilespmem:s0+$0x1110]  }
0x68: {  	v40 =	vld [tilespmem:s0+$0x1120]  }
0x69: {  	v41 =	vld [tilespmem:s0+$0x1130]  }
0x6a: {  	v42 =	vld [tilespmem:s0+$0x1140]  }
0x6b: {  	v43 =	vld [tilespmem:s0+$0x1150]  }
0x6c: {  	v44 =	vld [tilespmem:s0+$0x1160]  }
0x6d: {  	v45 =	vld [tilespmem:s0+$0x1170]  }
0x6e: {  	v46 =	vld [tilespmem:s0+$0x1500]  }
0x6f: {  	v47 =	vld [tilespmem:s0+$0x1510]  }
0x70: {  	v48 =	vld [tilespmem:s0+$0x1520]  }
0x71: {  	v49 =	vld [tilespmem:s0+$0x1530]  }
0x72: {  	v5 =	vld [tilespmem:s0+$0x1540]  }
0x73: {  	v4 =	vld [tilespmem:s0+$0x1550]  }
0x74: {  	[tilespmem:s0+$0x7570] =	vst.add.f32.msk $0xffff, v3  }
0x75: {  	v3 =	vld [tilespmem:s0+$0x1560]  }
0x76: {  	[tilespmem:s0+$0x6100] =	vst.add.f32.msk $0xffff, v6  }
0x77: {  	[tilespmem:s0+$0x6110] =	vst.add.f32.msk $0xffff, v7  }
0x78: {  	[tilespmem:s0+$0x6120] =	vst.add.f32.msk $0xffff, v8  }
0x79: {  	[tilespmem:s0+$0x6130] =	vst.add.f32.msk $0xffff, v9  }
0x7a: {  	[tilespmem:s0+$0x6140] =	vst.add.f32.msk $0xffff, v10  }
0x7b: {  	[tilespmem:s0+$0x6150] =	vst.add.f32.msk $0xffff, v11  }
0x7c: {  	[tilespmem:s0+$0x6160] =	vst.add.f32.msk $0xffff, v12  }
0x7d: {  	[tilespmem:s0+$0x6170] =	vst.add.f32.msk $0xffff, v13  }
0x7e: {  	[tilespmem:s0+$0x6500] =	vst.add.f32.msk $0xffff, v14  }
0x7f: {  	[tilespmem:s0+$0x6510] =	vst.add.f32.msk $0xffff, v15  }
0x80: {  	[tilespmem:s0+$0x6520] =	vst.add.f32.msk $0xffff, v16  }
0x81: {  	[tilespmem:s0+$0x6530] =	vst.add.f32.msk $0xffff, v17  }
0x82: {  	[tilespmem:s0+$0x6540] =	vst.add.f32.msk $0xffff, v18  }
0x83: {  	[tilespmem:s0+$0x6550] =	vst.add.f32.msk $0xffff, v19  }
0x84: {  	[tilespmem:s0+$0x6560] =	vst.add.f32.msk $0xffff, v20  }
0x85: {  	[tilespmem:s0+$0x6570] =	vst.add.f32.msk $0xffff, v21  }
0x86: {  	[tilespmem:s0+$0x6900] =	vst.add.f32.msk $0xffff, v22  }
0x87: {  	[tilespmem:s0+$0x6910] =	vst.add.f32.msk $0xffff, v23  }
0x88: {  	[tilespmem:s0+$0x6920] =	vst.add.f32.msk $0xffff, v24  }
0x89: {  	[tilespmem:s0+$0x6930] =	vst.add.f32.msk $0xffff, v25  }
0x8a: {  	[tilespmem:s0+$0x6940] =	vst.add.f32.msk $0xffff, v26  }
0x8b: {  	[tilespmem:s0+$0x6950] =	vst.add.f32.msk $0xffff, v27  }
0x8c: {  	[tilespmem:s0+$0x6960] =	vst.add.f32.msk $0xffff, v28  }
0x8d: {  	[tilespmem:s0+$0x6970] =	vst.add.f32.msk $0xffff, v29  }
0x8e: {  	[tilespmem:s0+$0x6D00] =	vst.add.f32.msk $0xffff, v30  }
0x8f: {  	[tilespmem:s0+$0x6D10] =	vst.add.f32.msk $0xffff, v31  }
0x90: {  	[tilespmem:s0+$0x6D20] =	vst.add.f32.msk $0xffff, v32  }
0x91: {  	[tilespmem:s0+$0x6D30] =	vst.add.f32.msk $0xffff, v33  }
0x92: {  	[tilespmem:s0+$0x6D40] =	vst.add.f32.msk $0xffff, v34  }
0x93: {  	[tilespmem:s0+$0x6D50] =	vst.add.f32.msk $0xffff, v35  }
0x94: {  	[tilespmem:s0+$0x6D60] =	vst.add.f32.msk $0xffff, v36  }
0x95: {  	[tilespmem:s0+$0x6D70] =	vst.add.f32.msk $0xffff, v37  }
0x96: {  	[tilespmem:s0+$0x7100] =	vst.add.f32.msk $0xffff, v38  }
0x97: {  	[tilespmem:s0+$0x7110] =	vst.add.f32.msk $0xffff, v39  }
0x98: {  	[tilespmem:s0+$0x7120] =	vst.add.f32.msk $0xffff, v40  }
0x99: {  	[tilespmem:s0+$0x7130] =	vst.add.f32.msk $0xffff, v41  }
0x9a: {  	[tilespmem:s0+$0x7140] =	vst.add.f32.msk $0xffff, v42  }
0x9b: {  	[tilespmem:s0+$0x7150] =	vst.add.f32.msk $0xffff, v43  }
0x9c: {  	[tilespmem:s0+$0x7160] =	vst.add.f32.msk $0xffff, v44  }
0x9d: {  	[tilespmem:s0+$0x7170] =	vst.add.f32.msk $0xffff, v45  }
0x9e: {  	[tilespmem:s0+$0x7500] =	vst.add.f32.msk $0xffff, v46  }
0x9f: {  	[tilespmem:s0+$0x7510] =	vst.add.f32.msk $0xffff, v47  }
0xa0: {  	[tilespmem:s0+$0x7520] =	vst.add.f32.msk $0xffff, v48  }
0xa1: {  	s8 =	simm.s32 $0x0;
	s1 =	simm.s32 $0x2;
	[tilespmem:s0+$0x7530] =	vst.add.f32.msk $0xffff, v49  }
.LBB2_3:
0xa2: {  	p0 =	sne.s32 s1, $0x1F;
	s8 =	smul.u32 $0x1800, s8;
	[tilespmem:s0+$0x7540] =	vst.add.f32.msk $0xffff, v5;
	s31 =	sadd.s32 $0x80, s31  }
0xa3: {  	s11 =	sand.u32 $0x380, s31;
	[tilespmem:s0+$0x7550] =	vst.add.f32.msk $0xffff, v4  }
0xa4: {  	[tilespmem:s0+$0x7560] =	vst.add.f32.msk $0xffff, v3;
	s0 =	sor.u32 s11, s8  }
0xa5: {  	v3 =	vld [tilespmem:s0+$0x1570]  }
0xa6: {  	v6 =	vld [tilespmem:s0+$0x100]  }
0xa7: {  	v7 =	vld [tilespmem:s0+$0x110]  }
0xa8: {  	v8 =	vld [tilespmem:s0+$0x120]  }
0xa9: {  	v9 =	vld [tilespmem:s0+$0x130]  }
0xaa: {  	[tilespmem:s0+$0x7570] =	vst.add.f32.msk $0xffff, v3  }
0xab: {  	v10 =	vld [tilespmem:s0+$0x140]  }
0xac: {  	v11 =	vld [tilespmem:s0+$0x150]  }
0xad: {  	v12 =	vld [tilespmem:s0+$0x160]  }
0xae: {  	v13 =	vld [tilespmem:s0+$0x170]  }
0xaf: {  	v14 =	vld [tilespmem:s0+$0x500]  }
0xb0: {  	v15 =	vld [tilespmem:s0+$0x510]  }
0xb1: {  	v16 =	vld [tilespmem:s0+$0x520]  }
0xb2: {  	v17 =	vld [tilespmem:s0+$0x530]  }
0xb3: {  	v18 =	vld [tilespmem:s0+$0x540]  }
0xb4: {  	v19 =	vld [tilespmem:s0+$0x550]  }
0xb5: {  	v20 =	vld [tilespmem:s0+$0x560]  }
0xb6: {  	v21 =	vld [tilespmem:s0+$0x570]  }
0xb7: {  	v22 =	vld [tilespmem:s0+$0x900]  }
0xb8: {  	v23 =	vld [tilespmem:s0+$0x910]  }
0xb9: {  	v24 =	vld [tilespmem:s0+$0x920]  }
0xba: {  	v25 =	vld [tilespmem:s0+$0x930]  }
0xbb: {  	v26 =	vld [tilespmem:s0+$0x940]  }
0xbc: {  	v27 =	vld [tilespmem:s0+$0x950]  }
0xbd: {  	v28 =	vld [tilespmem:s0+$0x960]  }
0xbe: {  	v29 =	vld [tilespmem:s0+$0x970]  }
0xbf: {  	v30 =	vld [tilespmem:s0+$0xD00]  }
0xc0: {  	v31 =	vld [tilespmem:s0+$0xD10]  }
0xc1: {  	v32 =	vld [tilespmem:s0+$0xD20]  }
0xc2: {  	v33 =	vld [tilespmem:s0+$0xD30]  }
0xc3: {  	v34 =	vld [tilespmem:s0+$0xD40]  }
0xc4: {  	v35 =	vld [tilespmem:s0+$0xD50]  }
0xc5: {  	v36 =	vld [tilespmem:s0+$0xD60]  }
0xc6: {  	v37 =	vld [tilespmem:s0+$0xD70]  }
0xc7: {  	v38 =	vld [tilespmem:s0+$0x1100]  }
0xc8: {  	v39 =	vld [tilespmem:s0+$0x1110]  }
0xc9: {  	v40 =	vld [tilespmem:s0+$0x1120]  }
0xca: {  	v41 =	vld [tilespmem:s0+$0x1130]  }
0xcb: {  	v42 =	vld [tilespmem:s0+$0x1140]  }
0xcc: {  	v43 =	vld [tilespmem:s0+$0x1150]  }
0xcd: {  	v44 =	vld [tilespmem:s0+$0x1160]  }
0xce: {  	v45 =	vld [tilespmem:s0+$0x1170]  }
0xcf: {  	v46 =	vld [tilespmem:s0+$0x1500]  }
0xd0: {  	v47 =	vld [tilespmem:s0+$0x1510]  }
0xd1: {  	v48 =	vld [tilespmem:s0+$0x1520]  }
0xd2: {  	v49 =	vld [tilespmem:s0+$0x1530]  }
0xd3: {  	v5 =	vld [tilespmem:s0+$0x1540]  }
0xd4: {  	v4 =	vld [tilespmem:s0+$0x1550]  }
0xd5: {  	v3 =	vld [tilespmem:s0+$0x1560]  }
0xd6: {  	[tilespmem:s0+$0x6100] =	vst.add.f32.msk $0xffff, v6  }
0xd7: {  	[tilespmem:s0+$0x6110] =	vst.add.f32.msk $0xffff, v7  }
0xd8: {  	[tilespmem:s0+$0x6120] =	vst.add.f32.msk $0xffff, v8  }
0xd9: {  	[tilespmem:s0+$0x6130] =	vst.add.f32.msk $0xffff, v9  }
0xda: {  	[tilespmem:s0+$0x6140] =	vst.add.f32.msk $0xffff, v10  }
0xdb: {  	[tilespmem:s0+$0x6150] =	vst.add.f32.msk $0xffff, v11  }
0xdc: {  	[tilespmem:s0+$0x6160] =	vst.add.f32.msk $0xffff, v12  }
0xdd: {  	[tilespmem:s0+$0x6170] =	vst.add.f32.msk $0xffff, v13  }
0xde: {  	[tilespmem:s0+$0x6500] =	vst.add.f32.msk $0xffff, v14  }
0xdf: {  	[tilespmem:s0+$0x6510] =	vst.add.f32.msk $0xffff, v15  }
0xe0: {  	[tilespmem:s0+$0x6520] =	vst.add.f32.msk $0xffff, v16  }
0xe1: {  	[tilespmem:s0+$0x6530] =	vst.add.f32.msk $0xffff, v17  }
0xe2: {  	[tilespmem:s0+$0x6540] =	vst.add.f32.msk $0xffff, v18  }
0xe3: {  	[tilespmem:s0+$0x6550] =	vst.add.f32.msk $0xffff, v19  }
0xe4: {  	[tilespmem:s0+$0x6560] =	vst.add.f32.msk $0xffff, v20  }
0xe5: {  	[tilespmem:s0+$0x6570] =	vst.add.f32.msk $0xffff, v21  }
0xe6: {  	[tilespmem:s0+$0x6900] =	vst.add.f32.msk $0xffff, v22  }
0xe7: {  	[tilespmem:s0+$0x6910] =	vst.add.f32.msk $0xffff, v23  }
0xe8: {  	[tilespmem:s0+$0x6920] =	vst.add.f32.msk $0xffff, v24  }
0xe9: {  	[tilespmem:s0+$0x6930] =	vst.add.f32.msk $0xffff, v25  }
0xea: {  	[tilespmem:s0+$0x6940] =	vst.add.f32.msk $0xffff, v26  }
0xeb: {  	[tilespmem:s0+$0x6950] =	vst.add.f32.msk $0xffff, v27  }
0xec: {  	[tilespmem:s0+$0x6960] =	vst.add.f32.msk $0xffff, v28  }
0xed: {  	[tilespmem:s0+$0x6970] =	vst.add.f32.msk $0xffff, v29  }
0xee: {  	[tilespmem:s0+$0x6D00] =	vst.add.f32.msk $0xffff, v30  }
0xef: {  	[tilespmem:s0+$0x6D10] =	vst.add.f32.msk $0xffff, v31  }
0xf0: {  	[tilespmem:s0+$0x6D20] =	vst.add.f32.msk $0xffff, v32  }
0xf1: {  	[tilespmem:s0+$0x6D30] =	vst.add.f32.msk $0xffff, v33  }
0xf2: {  	[tilespmem:s0+$0x6D40] =	vst.add.f32.msk $0xffff, v34  }
0xf3: {  	[tilespmem:s0+$0x6D50] =	vst.add.f32.msk $0xffff, v35  }
0xf4: {  	[tilespmem:s0+$0x6D60] =	vst.add.f32.msk $0xffff, v36  }
0xf5: {  	[tilespmem:s0+$0x6D70] =	vst.add.f32.msk $0xffff, v37  }
0xf6: {  	[tilespmem:s0+$0x7100] =	vst.add.f32.msk $0xffff, v38  }
0xf7: {  	[tilespmem:s0+$0x7110] =	vst.add.f32.msk $0xffff, v39  }
0xf8: {  	[tilespmem:s0+$0x7120] =	vst.add.f32.msk $0xffff, v40  }
0xf9: {  	[tilespmem:s0+$0x7130] =	vst.add.f32.msk $0xffff, v41  }
0xfa: {  	[tilespmem:s0+$0x7140] =	vst.add.f32.msk $0xffff, v42  }
0xfb: {  	[tilespmem:s0+$0x7150] =	vst.add.f32.msk $0xffff, v43  }
0xfc: {  	[tilespmem:s0+$0x7160] =	vst.add.f32.msk $0xffff, v44  }
.Ltmp0:
0xfd: {  	[tilespmem:s0+$0x7170] =	vst.add.f32.msk $0xffff, v45;
	(pc) =	sbr.rel @p0 .LBB2_3-.Ltmp0, $4  }
0xfe: {  	[tilespmem:s0+$0x7500] =	vst.add.f32.msk $0xffff, v46  }
0xff: {  	[tilespmem:s0+$0x7510] =	vst.add.f32.msk $0xffff, v47  }
0x100: {  	[tilespmem:s0+$0x7520] =	vst.add.f32.msk $0xffff, v48  }
0x101: {  	s8 =	sshrl.u32 s1, $0x3;
	s1 =	sadd.s32 $0x1, s1;
	[tilespmem:s0+$0x7530] =	vst.add.f32.msk $0xffff, v49  }
0x102: {  	s1 =	smul.u32 $0x1800, s8;
	[tilespmem:s0+$0x7540] =	vst.add.f32.msk $0xffff, v5;
	s11 =	sadd.s32 $0x80, s31  }
0x103: {  	[tilespmem:s0+$0x7550] =	vst.add.f32.msk $0xffff, v4;
	s8 =	sand.u32 $0x380, s11  }
0x104: {  	[tilespmem:s0+$0x7560] =	vst.add.f32.msk $0xffff, v3;
	s1 =	sor.u32 s8, s1  }
0x105: {  	v3 =	vld [tilespmem:s1+$0x1570]  }
0x106: {  	v4 =	vld [tilespmem:s1+$0x100]  }
0x107: {  	v5 =	vld [tilespmem:s1+$0x110]  }
0x108: {  	v6 =	vld [tilespmem:s1+$0x120]  }
0x109: {  	v7 =	vld [tilespmem:s1+$0x130]  }
0x10a: {  	v8 =	vld [tilespmem:s1+$0x150]  }
0x10b: {  	v9 =	vld [tilespmem:s1+$0x160]  }
0x10c: {  	v10 =	vld [tilespmem:s1+$0x170]  }
0x10d: {  	v11 =	vld [tilespmem:s1+$0x500]  }
0x10e: {  	v12 =	vld [tilespmem:s1+$0x510]  }
0x10f: {  	v13 =	vld [tilespmem:s1+$0x520]  }
0x110: {  	v14 =	vld [tilespmem:s1+$0x530]  }
0x111: {  	v15 =	vld [tilespmem:s1+$0x540]  }
0x112: {  	v16 =	vld [tilespmem:s1+$0x550]  }
0x113: {  	v17 =	vld [tilespmem:s1+$0x560]  }
0x114: {  	v18 =	vld [tilespmem:s1+$0x570]  }
0x115: {  	v19 =	vld [tilespmem:s1+$0x900]  }
0x116: {  	v20 =	vld [tilespmem:s1+$0x910]  }
0x117: {  	v21 =	vld [tilespmem:s1+$0x920]  }
0x118: {  	v22 =	vld [tilespmem:s1+$0x930]  }
0x119: {  	v23 =	vld [tilespmem:s1+$0x940]  }
0x11a: {  	v24 =	vld [tilespmem:s1+$0x950]  }
0x11b: {  	v25 =	vld [tilespmem:s1+$0x960]  }
0x11c: {  	v26 =	vld [tilespmem:s1+$0x970]  }
0x11d: {  	v27 =	vld [tilespmem:s1+$0xD00]  }
0x11e: {  	v28 =	vld [tilespmem:s1+$0xD10]  }
0x11f: {  	v29 =	vld [tilespmem:s1+$0xD20]  }
0x120: {  	v30 =	vld [tilespmem:s1+$0xD30]  }
0x121: {  	v31 =	vld [tilespmem:s1+$0xD40]  }
0x122: {  	v32 =	vld [tilespmem:s1+$0xD50]  }
0x123: {  	v33 =	vld [tilespmem:s1+$0xD60]  }
0x124: {  	v34 =	vld [tilespmem:s1+$0xD70]  }
0x125: {  	v35 =	vld [tilespmem:s1+$0x1100]  }
0x126: {  	v36 =	vld [tilespmem:s1+$0x1110]  }
0x127: {  	v37 =	vld [tilespmem:s1+$0x1120]  }
0x128: {  	v38 =	vld [tilespmem:s1+$0x1130]  }
0x129: {  	v39 =	vld [tilespmem:s1+$0x1140]  }
0x12a: {  	v40 =	vld [tilespmem:s1+$0x1150]  }
0x12b: {  	v41 =	vld [tilespmem:s1+$0x1160]  }
0x12c: {  	v42 =	vld [tilespmem:s1+$0x1170]  }
0x12d: {  	v43 =	vld [tilespmem:s1+$0x1500]  }
0x12e: {  	v44 =	vld [tilespmem:s1+$0x1510]  }
0x12f: {  	v45 =	vld [tilespmem:s1+$0x1520]  }
0x130: {  	v46 =	vld [tilespmem:s1+$0x1530]  }
0x131: {  	v47 =	vld [tilespmem:s1+$0x1540]  }
0x132: {  	v48 =	vld [tilespmem:s1+$0x1550]  }
0x133: {  	v49 =	vld [tilespmem:s1+$0x1560]  }
0x134: {  	[tilespmem:s1+$0x7570] =	vst.add.f32.msk $0xffff, v3  }
0x135: {  	v3 =	vld [tilespmem:s1+$0x140]  }
0x136: {  	[tilespmem:s1+$0x6100] =	vst.add.f32.msk $0xffff, v4  }
0x137: {  	[tilespmem:s1+$0x6110] =	vst.add.f32.msk $0xffff, v5  }
0x138: {  	[tilespmem:s1+$0x6120] =	vst.add.f32.msk $0xffff, v6  }
0x139: {  	[tilespmem:s1+$0x6130] =	vst.add.f32.msk $0xffff, v7  }
0x13a: {  	[tilespmem:s1+$0x6150] =	vst.add.f32.msk $0xffff, v8  }
0x13b: {  	[tilespmem:s1+$0x6160] =	vst.add.f32.msk $0xffff, v9  }
0x13c: {  	[tilespmem:s1+$0x6170] =	vst.add.f32.msk $0xffff, v10  }
0x13d: {  	[tilespmem:s1+$0x6500] =	vst.add.f32.msk $0xffff, v11  }
0x13e: {  	[tilespmem:s1+$0x6510] =	vst.add.f32.msk $0xffff, v12  }
0x13f: {  	[tilespmem:s1+$0x6520] =	vst.add.f32.msk $0xffff, v13  }
0x140: {  	[tilespmem:s1+$0x6530] =	vst.add.f32.msk $0xffff, v14  }
0x141: {  	[tilespmem:s1+$0x6540] =	vst.add.f32.msk $0xffff, v15  }
0x142: {  	[tilespmem:s1+$0x6550] =	vst.add.f32.msk $0xffff, v16  }
0x143: {  	[tilespmem:s1+$0x6560] =	vst.add.f32.msk $0xffff, v17  }
0x144: {  	[tilespmem:s1+$0x6570] =	vst.add.f32.msk $0xffff, v18  }
0x145: {  	[tilespmem:s1+$0x6900] =	vst.add.f32.msk $0xffff, v19  }
0x146: {  	[tilespmem:s1+$0x6910] =	vst.add.f32.msk $0xffff, v20  }
0x147: {  	[tilespmem:s1+$0x6920] =	vst.add.f32.msk $0xffff, v21  }
0x148: {  	[tilespmem:s1+$0x6930] =	vst.add.f32.msk $0xffff, v22  }
0x149: {  	[tilespmem:s1+$0x6940] =	vst.add.f32.msk $0xffff, v23  }
0x14a: {  	[tilespmem:s1+$0x6950] =	vst.add.f32.msk $0xffff, v24  }
0x14b: {  	[tilespmem:s1+$0x6960] =	vst.add.f32.msk $0xffff, v25  }
0x14c: {  	[tilespmem:s1+$0x6970] =	vst.add.f32.msk $0xffff, v26  }
0x14d: {  	[tilespmem:s1+$0x6D00] =	vst.add.f32.msk $0xffff, v27  }
0x14e: {  	[tilespmem:s1+$0x6D10] =	vst.add.f32.msk $0xffff, v28  }
0x14f: {  	[tilespmem:s1+$0x6D20] =	vst.add.f32.msk $0xffff, v29  }
0x150: {  	[tilespmem:s1+$0x6D30] =	vst.add.f32.msk $0xffff, v30  }
0x151: {  	[tilespmem:s1+$0x6D40] =	vst.add.f32.msk $0xffff, v31  }
0x152: {  	[tilespmem:s1+$0x6D50] =	vst.add.f32.msk $0xffff, v32  }
0x153: {  	[tilespmem:s1+$0x6D60] =	vst.add.f32.msk $0xffff, v33  }
0x154: {  	[tilespmem:s1+$0x6D70] =	vst.add.f32.msk $0xffff, v34  }
0x155: {  	[tilespmem:s1+$0x7100] =	vst.add.f32.msk $0xffff, v35  }
0x156: {  	[tilespmem:s1+$0x7110] =	vst.add.f32.msk $0xffff, v36  }
0x157: {  	[tilespmem:s1+$0x7120] =	vst.add.f32.msk $0xffff, v37  }
0x158: {  	[tilespmem:s1+$0x7130] =	vst.add.f32.msk $0xffff, v38  }
0x159: {  	[tilespmem:s1+$0x7140] =	vst.add.f32.msk $0xffff, v39  }
0x15a: {  	[tilespmem:s1+$0x7150] =	vst.add.f32.msk $0xffff, v40  }
0x15b: {  	[tilespmem:s1+$0x7160] =	vst.add.f32.msk $0xffff, v41  }
0x15c: {  	[tilespmem:s1+$0x7170] =	vst.add.f32.msk $0xffff, v42  }
0x15d: {  	[tilespmem:s1+$0x7500] =	vst.add.f32.msk $0xffff, v43  }
0x15e: {  	[tilespmem:s1+$0x7510] =	vst.add.f32.msk $0xffff, v44  }
0x15f: {  	[tilespmem:s1+$0x7520] =	vst.add.f32.msk $0xffff, v45  }
0x160: {  	s31 =	sor.u32 s6, s30;
	[tilespmem:s1+$0x7530] =	vst.add.f32.msk $0xffff, v46  }
0x161: {  	s0 =	sshrl.u32 s31, $0x3;
	[tilespmem:s1+$0x7540] =	vst.add.f32.msk $0xffff, v47  }
0x162: {  	s29 =	sadd.s32 $0x1, s29;
	s0 =	smul.u32 $0x300, s0;
	[tilespmem:s1+$0x7550] =	vst.add.f32.msk $0xffff, v48  }
0x163: {  	p0 =	sne.s32 s29, $0x8;
	[tilespmem:s1+$0x7560] =	vst.add.f32.msk $0xffff, v49  }
.Ltmp1:
0x164: {  	s0 =	sadd.s32 s4, s0;
	[tilespmem:s1+$0x6140] =	vst.add.f32.msk $0xffff, v3;
	(pc) =	sbr.rel @p0 .LBB2_2-.Ltmp1, $4  }
0x165: {  	[hbm4b:s0+s5] =	stream.linear.scatter [tilespmem:s25], [sflag:$0x2], $0x6000, $0x38;
	[tilespmem:$0xC100] =	vst v63  }
0x166: {  	_ =	swait.ge [sflag:s12], $0x6000  }
0x167: {  	[sflag:s12] =	ssyncset.done $0x0  }
0x168: {  	[sflag:s12] =	ssyncadd.s32 $0xFFFFA000  }
0x169: {  	s28 =	sadd.s32 $0x1, s28;
	s0 =	rddreg [dreg:$0x6]  }
0x16a: {  	p0 =	sne.s32 s28, s0  }
.Ltmp2:
0x16b: {  	_ = 	snop;
	(pc) =	sbr.rel @p0 .LBB2_1-.Ltmp2, $1  }
0x16c: {  	_ =	sdelay $0x3  }
0x16d: {  	_ =	sfence.sel $0x180000  }
0x16e: {  	[bflag:$0x0] =	sbarrier.arrive $0xFFFF  }
0x16f: {  	_ =	strace $0x90000047  }
0x170: {  	s0 =	stileid.u32;
	[bflag:$0x2] =	sbarrier.arrive $0xFFFF  }
0x171: {  	p0 =	sne.s32 s0, $0x0;
	s0 =	rddreg [dreg:$0x4]  }
0x172: {  	s0 =	sadd.s32 @!p0 $0x100000, s0  }
0x173: {  	[sflag:s0] =	ssyncadd.tile.s32 @!p0 $0x1;
	_ =	shalt  }
.Lfunc_end2:
_tile_overlayer_lowered:
.L_overlay_start_2:
0x174: {  	(tag) =	ssettag $0x2  }
0x175: {  	s0 =	rddreg [dreg:$0x0];
	s2 =	stileid.u32  }
0x176: {  	s1 =	rddreg [dreg:$0x1];
	p0 =	sne.s32 s2, $0x0  }
0x177: {  	s3 =	rddreg [dreg:$0x2];
	[bflag:$0x3] =	sbarrier.arrive $0xFFFF;
	s2 =	simm.s32 @!p0 $0x1C02  }
0x178: {  	[timem:s3], [sflag:s2] =	dma.local @!p0 [hbm:s0], s1  }
0x179: {  	s0 =	simm.s32 @!p0 $0x2  }
0x17a: {  	_ =	swait.ge @!p0 [sflag:s0], s1  }
0x17b: {  	s1 =	ssub.s32 @!p0 $0x0, s1;
	[sflag:s0] =	ssyncset.done @!p0 $0x0  }
0x17c: {  	[sflag:s0] =	ssyncadd.s32 @!p0 s1  }
0x17d: {  	[bflag:$0x3] =	sbarrier.arrive $0xFFFF  }
0x17e: {  	_ =	shalt  }

</sc_bundles>
